<compile_context>
chip_gen: v7x
topology: tpu7x:2x2x1
jax: 0.10.2.dev20260603
libtpu: 0.0.44.dev20260713+nightly
codegen_flags: <defaults>
</compile_context>

<pallas_src>
import functools

import jax
import jax.numpy as jnp
from jax import lax
from jax.experimental import pallas as pl
from jax.experimental.pallas import tpu as pltpu
from jax.experimental.pallas import tpu_sc as plsc

_TABLE_DIMS = (16, 16, 16, 16, 16, 8, 8, 8, 8, 8, 8)
_NUM_FIELDS = 11
_NC, _NS = 2, 16
_NW = _NC * _NS
_SPAD = 56


def _sc_body(B, S, GB, xq_hbm, *refs):
    w_hbm = refs[:_NUM_FIELDS]
    out_hbm = refs[_NUM_FIELDS : 2 * _NUM_FIELDS]
    scr = refs[2 * _NUM_FIELDS :]
    idx_v = scr[0]
    stages = scr[1 : 1 + _NUM_FIELDS]
    gsem = scr[1 + _NUM_FIELDS]
    ssem = scr[2 + _NUM_FIELDS]

    wid = lax.axis_index("s") * _NC + lax.axis_index("c")
    bpw = B // _NW
    b_lo = wid * bpw
    n_groups = bpw // GB

    def fire_gathers(p, c):
        def fire(k, c2):
            for i in range(_NUM_FIELDS):
                pltpu.async_copy(
                    w_hbm[i].at[idx_v.at[p, i, k]],
                    stages[i].at[p, k],
                    gsem,
                )
            return c2

        lax.fori_loop(0, GB, fire, c)

    def drain_gathers(p, c):
        def drain(k, c2):
            for i in range(_NUM_FIELDS):
                pltpu.make_async_copy(
                    w_hbm[i].at[idx_v.at[p, i, k]],
                    stages[i].at[p, k],
                    gsem,
                ).wait()
            return c2

        lax.fori_loop(0, GB, drain, c)

    def fire_scatters(p, b0):
        for i in range(_NUM_FIELDS):
            pltpu.async_copy(
                stages[i].at[p, :, pl.ds(0, S), :],
                out_hbm[i].at[pl.ds(b0, GB)],
                ssem,
            )

    def drain_scatters(p, b0):
        for i in range(_NUM_FIELDS):
            pltpu.make_async_copy(
                stages[i].at[p, :, pl.ds(0, S), :],
                out_hbm[i].at[pl.ds(b0, GB)],
                ssem,
            ).wait()

    def group(g, carry):
        p = lax.rem(g, 2)
        b0 = b_lo + g * GB
        pltpu.sync_copy(xq_hbm.at[:, pl.ds(b0, GB), :], idx_v.at[p])
        fire_gathers(p, 0)
        drain_gathers(p, 0)

        @pl.when(g >= 1)
        def _():
            drain_scatters(1 - p, b0 - GB)

        fire_scatters(p, b0)
        return carry

    lax.fori_loop(0, n_groups, group, 0)
    p_last = lax.rem(n_groups - 1, 2)
    drain_scatters(p_last, b_lo + (n_groups - 1) * GB)


def kernel(x, W0, W1, W2, W3, W4, W5, W6, W7, W8, W9, W10):
    Ws = (W0, W1, W2, W3, W4, W5, W6, W7, W8, W9, W10)
    B, S, F = x.shape
    GB = 8

    xq = jnp.pad(x.transpose(2, 0, 1), ((0, 0), (0, 0), (0, _SPAD - S)))

    out_type = tuple(
        jax.ShapeDtypeStruct((B, S, d), jnp.float32) for d in _TABLE_DIMS
    )
    scratch = [pltpu.VMEM((2, _NUM_FIELDS, GB, _SPAD), jnp.int32)]
    scratch += [
        pltpu.VMEM((2, GB, _SPAD, d), jnp.float32) for d in _TABLE_DIMS
    ]
    scratch += [pltpu.SemaphoreType.DMA, pltpu.SemaphoreType.DMA]

    mesh = plsc.VectorSubcoreMesh(core_axis_name="c", subcore_axis_name="s")
    fn = pl.kernel(
        functools.partial(_sc_body, B, S, GB),
        out_type=out_type,
        mesh=mesh,
        scratch_types=scratch,
        compiler_params=pltpu.CompilerParams(use_tc_tiling_on_sc=False),
    )
    return fn(xq, *Ws)

# --- scband reference (transcript-rebuilt; emitter-appended) ---
"""Pipeline reference for scband-action-encoder-12592844112418 (READ-ONLY COPY).

The authoritative reference and input builder live on the scoring server;
editing this copy changes nothing except your own understanding.
"""

import jax, jax.numpy as jnp
import numpy as np

# channels=128, div=8 -> first 5 tables dim c//div=16, last 6 tables dim c//div//2=8
TABLE_SPECS = [(30, 16), (13, 16), (3, 16), (4, 16), (3, 16), (3, 8), (9, 8), (6, 8), (13, 8), (31, 8), (10, 8)]


def setup_inputs(seed: int = 0) -> dict:
    key = jax.random.key(seed)
    keys = jax.random.split(key, 12)
    x = jax.random.randint(keys[0], (4096, 50, 11), 0, 3, dtype=jnp.int32)
    inp = {"x": x}
    for i, (vocab, dim) in enumerate(TABLE_SPECS):
        # flax default_embed_init = nn.initializers.uniform(scale=0.001) -> U[0, 0.001)
        inp[f"W{i}"] = jax.random.uniform(keys[i + 1], (vocab, dim), dtype=jnp.float32) * 0.001
    return inp


def reference(x, W0, W1, W2, W3, W4, W5, W6, W7, W8, W9, W10):
    Ws = (W0, W1, W2, W3, W4, W5, W6, W7, W8, W9, W10)
    # each field i: embedding lookup table_i[x[:, :, i]]
    xs = tuple(jnp.take(Ws[i], x[:, :, i], axis=0) for i in range(11))
    return xs

if __name__ == "__main__":
    import jax
    _d = setup_inputs()
    print(jax.jit(kernel)(*tuple(_d.values())))

</pallas_src>

<mosaic_0001>
#map = affine_map<(d0, d1) -> (0, 0, 0)>
#map1 = affine_map<(d0, d1) -> (0, 0)>
module attributes {stable_mosaic.version = 14 : i64} {
  func.func @_sc_body(%arg0: i32, %arg1: i32, %arg2: memref<11x4096x56xi32, #tpu.memory_space<hbm>>, %arg3: memref<30x16xf32, #tpu.memory_space<hbm>>, %arg4: memref<13x16xf32, #tpu.memory_space<hbm>>, %arg5: memref<3x16xf32, #tpu.memory_space<hbm>>, %arg6: memref<4x16xf32, #tpu.memory_space<hbm>>, %arg7: memref<3x16xf32, #tpu.memory_space<hbm>>, %arg8: memref<3x8xf32, #tpu.memory_space<hbm>>, %arg9: memref<9x8xf32, #tpu.memory_space<hbm>>, %arg10: memref<6x8xf32, #tpu.memory_space<hbm>>, %arg11: memref<13x8xf32, #tpu.memory_space<hbm>>, %arg12: memref<31x8xf32, #tpu.memory_space<hbm>>, %arg13: memref<10x8xf32, #tpu.memory_space<hbm>>, %arg14: memref<4096x50x16xf32, #tpu.memory_space<hbm>>, %arg15: memref<4096x50x16xf32, #tpu.memory_space<hbm>>, %arg16: memref<4096x50x16xf32, #tpu.memory_space<hbm>>, %arg17: memref<4096x50x16xf32, #tpu.memory_space<hbm>>, %arg18: memref<4096x50x16xf32, #tpu.memory_space<hbm>>, %arg19: memref<4096x50x8xf32, #tpu.memory_space<hbm>>, %arg20: memref<4096x50x8xf32, #tpu.memory_space<hbm>>, %arg21: memref<4096x50x8xf32, #tpu.memory_space<hbm>>, %arg22: memref<4096x50x8xf32, #tpu.memory_space<hbm>>, %arg23: memref<4096x50x8xf32, #tpu.memory_space<hbm>>, %arg24: memref<4096x50x8xf32, #tpu.memory_space<hbm>>, %arg25: memref<2x11x8x56xi32, #tpu.memory_space<vmem>>, %arg26: memref<2x8x56x16xf32, #tpu.memory_space<vmem>>, %arg27: memref<2x8x56x16xf32, #tpu.memory_space<vmem>>, %arg28: memref<2x8x56x16xf32, #tpu.memory_space<vmem>>, %arg29: memref<2x8x56x16xf32, #tpu.memory_space<vmem>>, %arg30: memref<2x8x56x16xf32, #tpu.memory_space<vmem>>, %arg31: memref<2x8x56x8xf32, #tpu.memory_space<vmem>>, %arg32: memref<2x8x56x8xf32, #tpu.memory_space<vmem>>, %arg33: memref<2x8x56x8xf32, #tpu.memory_space<vmem>>, %arg34: memref<2x8x56x8xf32, #tpu.memory_space<vmem>>, %arg35: memref<2x8x56x8xf32, #tpu.memory_space<vmem>>, %arg36: memref<2x8x56x8xf32, #tpu.memory_space<vmem>>, %arg37: memref<!tpu.dma_semaphore, #tpu.memory_space<semaphore_mem>>, %arg38: memref<!tpu.dma_semaphore, #tpu.memory_space<semaphore_mem>>) attributes {dimension_semantics = [#tpu.dimension_semantics<core_parallel>, #tpu.dimension_semantics<subcore_parallel>], iteration_bounds = array<i64: 2, 16>, scalar_prefetch = 0 : i64, scratch_operands = 14 : i64, tpu.core_type = #tpu.core_type<sc_vector_subcore>, window_params = [{transform_indices = #map}, {transform_indices = #map1}, {transform_indices = #map1}, {transform_indices = #map1}, {transform_indices = #map1}, {transform_indices = #map1}, {transform_indices = #map1}, {transform_indices = #map1}, {transform_indices = #map1}, {transform_indices = #map1}, {transform_indices = #map1}, {transform_indices = #map1}, {transform_indices = #map}, {transform_indices = #map}, {transform_indices = #map}, {transform_indices = #map}, {transform_indices = #map}, {transform_indices = #map}, {transform_indices = #map}, {transform_indices = #map}, {transform_indices = #map}, {transform_indices = #map}, {transform_indices = #map}]} {
    %mul3A = arith.constant 2 : i32
    %mul3A_0 = arith.muli %arg1, %mul3A : i32
    %add3A = arith.addi %mul3A_0, %arg0 : i32
    %mul3A_1 = arith.constant 128 : i32
    %mul3A_2 = arith.muli %add3A, %mul3A_1 : i32
    %scan3A = arith.constant 0 : i32
    %scan3A_3 = arith.constant 0 : i32
    %scan3A_4 = arith.constant 16 : i32
    %scan3A_5 = arith.addi %scan3A_3, %scan3A_4 : i32
    %scan3A_6 = arith.constant 1 : i32
    scf.for %scan3A_187 = %scan3A_3 to %scan3A_5 step %scan3A_6  : i32 {
      %rem3A_188 = arith.constant 2 : i32
      %rem3A_189 = arith.remsi %scan3A_187, %rem3A_188 : i32
      %mul3A_190 = arith.constant 8 : i32
      %mul3A_191 = arith.muli %scan3A_187, %mul3A_190 : i32
      %add3A_192 = arith.addi %mul3A_2, %mul3A_191 : i32
      "tpu.region"() ({
        %run_scoped3A = tpu.sem_alloc : memref<!tpu.dma_semaphore, #tpu.memory_space<semaphore_mem>>
        %dma_start3A_382 = arith.constant 0 : i32
        %dma_start3A_383 = arith.constant 0 : i32
        %dma_start3A_384 = arith.constant 0 : i32
        %dma_start3A_385 = tpu.memref_slice %arg25[%rem3A_189, %dma_start3A_382, %dma_start3A_383, %dma_start3A_384] : memref<2x11x8x56xi32, #tpu.memory_space<vmem>> -> memref<1x11x8x56xi32, #tpu.memory_space<vmem>>
        %dma_start3A_386 = tpu.memref_squeeze %dma_start3A_385 : memref<1x11x8x56xi32, #tpu.memory_space<vmem>> -> memref<11x8x56xi32, #tpu.memory_space<vmem>>
        %dma_start3A_387 = arith.constant 0 : i32
        %dma_start3A_388 = arith.constant 0 : i32
        %dma_start3A_389 = tpu.memref_slice %arg2[%dma_start3A_387, %add3A_192, %dma_start3A_388] : memref<11x4096x56xi32, #tpu.memory_space<hbm>> -> memref<11x8x56xi32, #tpu.memory_space<hbm>>
        %dma_start3A_390 = arith.constant 0 : i32
        %dma_start3A_391 = arith.constant 0 : i32
        %dma_start3A_392 = arith.constant 0 : i32
        %dma_start3A_393 = tpu.memref_slice %arg25[%rem3A_189, %dma_start3A_390, %dma_start3A_391, %dma_start3A_392] : memref<2x11x8x56xi32, #tpu.memory_space<vmem>> -> memref<1x11x8x56xi32, #tpu.memory_space<vmem>>
        %dma_start3A_394 = tpu.memref_squeeze %dma_start3A_393 : memref<1x11x8x56xi32, #tpu.memory_space<vmem>> -> memref<11x8x56xi32, #tpu.memory_space<vmem>>
        %dma_start3A_395 = arith.constant 0 : i32
        %dma_start3A_396 = arith.constant 0 : i32
        %dma_start3A_397 = tpu.memref_slice %arg2[%dma_start3A_395, %add3A_192, %dma_start3A_396] : memref<11x4096x56xi32, #tpu.memory_space<hbm>> -> memref<11x8x56xi32, #tpu.memory_space<hbm>>
        tpu.enqueue_dma source(%dma_start3A_397 : memref<11x8x56xi32, #tpu.memory_space<hbm>>) target(%dma_start3A_394 : memref<11x8x56xi32, #tpu.memory_space<vmem>>) target_semaphore(%run_scoped3A : memref<!tpu.dma_semaphore, #tpu.memory_space<semaphore_mem>>)
        %dma_wait3A_398 = arith.constant 0 : i32
        %dma_wait3A_399 = arith.constant 0 : i32
        %dma_wait3A_400 = arith.constant 0 : i32
        %dma_wait3A_401 = tpu.memref_slice %arg25[%rem3A_189, %dma_wait3A_398, %dma_wait3A_399, %dma_wait3A_400] : memref<2x11x8x56xi32, #tpu.memory_space<vmem>> -> memref<1x11x8x56xi32, #tpu.memory_space<vmem>>
        %dma_wait3A_402 = tpu.memref_squeeze %dma_wait3A_401 : memref<1x11x8x56xi32, #tpu.memory_space<vmem>> -> memref<11x8x56xi32, #tpu.memory_space<vmem>>
        %dma_wait3A_403 = arith.constant 0 : i32
        %dma_wait3A_404 = arith.constant 0 : i32
        %dma_wait3A_405 = tpu.memref_slice %arg2[%dma_wait3A_403, %add3A_192, %dma_wait3A_404] : memref<11x4096x56xi32, #tpu.memory_space<hbm>> -> memref<11x8x56xi32, #tpu.memory_space<hbm>>
        %dma_wait3A_406 = arith.constant 0 : i32
        %dma_wait3A_407 = arith.constant 0 : i32
        %dma_wait3A_408 = arith.constant 0 : i32
        %dma_wait3A_409 = tpu.memref_slice %arg25[%rem3A_189, %dma_wait3A_406, %dma_wait3A_407, %dma_wait3A_408] : memref<2x11x8x56xi32, #tpu.memory_space<vmem>> -> memref<1x11x8x56xi32, #tpu.memory_space<vmem>>
        %dma_wait3A_410 = tpu.memref_squeeze %dma_wait3A_409 : memref<1x11x8x56xi32, #tpu.memory_space<vmem>> -> memref<11x8x56xi32, #tpu.memory_space<vmem>>
        %dma_wait3A_411 = arith.constant 0 : i32
        %dma_wait3A_412 = arith.constant 0 : i32
        %dma_wait3A_413 = tpu.memref_slice %arg2[%dma_wait3A_411, %add3A_192, %dma_wait3A_412] : memref<11x4096x56xi32, #tpu.memory_space<hbm>> -> memref<11x8x56xi32, #tpu.memory_space<hbm>>
        tpu.wait_dma2 semaphore(%run_scoped3A : memref<!tpu.dma_semaphore, #tpu.memory_space<semaphore_mem>>) src(%dma_wait3A_413 : memref<11x8x56xi32, #tpu.memory_space<hbm>>) dst(%dma_wait3A_410 : memref<11x8x56xi32, #tpu.memory_space<vmem>>)
        tpu.yield
      }) : () -> ()
      %scan3A_193 = arith.constant 0 : i32
      %scan3A_194 = arith.constant 0 : i32
      %scan3A_195 = arith.constant 8 : i32
      %scan3A_196 = arith.addi %scan3A_194, %scan3A_195 : i32
      %scan3A_197 = arith.constant 1 : i32
      scf.for %scan3A_382 = %scan3A_194 to %scan3A_196 step %scan3A_197  : i32 {
        %dma_start3A_383 = arith.constant 0 : i32
        %dma_start3A_384 = arith.constant 0 : i32
        %dma_start3A_385 = arith.constant 0 : i32
        %dma_start3A_386 = tpu.memref_slice %arg26[%rem3A_189, %scan3A_382, %dma_start3A_384, %dma_start3A_385] : memref<2x8x56x16xf32, #tpu.memory_space<vmem>> -> memref<1x1x56x16xf32, #tpu.memory_space<vmem>>
        %dma_start3A_387 = tpu.memref_squeeze %dma_start3A_386 : memref<1x1x56x16xf32, #tpu.memory_space<vmem>> -> memref<56x16xf32, #tpu.memory_space<vmem>>
        %dma_start3A_388 = arith.constant 0 : i32
        %dma_start3A_389 = tpu.memref_slice %arg25[%rem3A_189, %dma_start3A_383, %scan3A_382, %dma_start3A_388] : memref<2x11x8x56xi32, #tpu.memory_space<vmem>> -> memref<1x1x1x56xi32, #tpu.memory_space<vmem>>
        %dma_start3A_390 = tpu.memref_squeeze %dma_start3A_389 : memref<1x1x1x56xi32, #tpu.memory_space<vmem>> -> memref<56xi32, #tpu.memory_space<vmem>>
        %dma_start3A_391 = arith.constant 0 : i32
        %dma_start3A_392 = arith.constant 0 : i32
        %dma_start3A_393 = tpu.memref_slice %arg3[%dma_start3A_391, %dma_start3A_392] : memref<30x16xf32, #tpu.memory_space<hbm>> -> memref<30x16xf32, #tpu.memory_space<hbm>>
        tpu.enqueue_indirect_dma source(%dma_start3A_393 : memref<30x16xf32, #tpu.memory_space<hbm>>) target(%dma_start3A_387 : memref<56x16xf32, #tpu.memory_space<vmem>>) offsets(%dma_start3A_390 : memref<56xi32, #tpu.memory_space<vmem>>) semaphore(%arg37 : memref<!tpu.dma_semaphore, #tpu.memory_space<semaphore_mem>>)
        %dma_start3A_394 = arith.constant 1 : i32
        %dma_start3A_395 = arith.constant 0 : i32
        %dma_start3A_396 = arith.constant 0 : i32
        %dma_start3A_397 = tpu.memref_slice %arg27[%rem3A_189, %scan3A_382, %dma_start3A_395, %dma_start3A_396] : memref<2x8x56x16xf32, #tpu.memory_space<vmem>> -> memref<1x1x56x16xf32, #tpu.memory_space<vmem>>
        %dma_start3A_398 = tpu.memref_squeeze %dma_start3A_397 : memref<1x1x56x16xf32, #tpu.memory_space<vmem>> -> memref<56x16xf32, #tpu.memory_space<vmem>>
        %dma_start3A_399 = arith.constant 0 : i32
        %dma_start3A_400 = tpu.memref_slice %arg25[%rem3A_189, %dma_start3A_394, %scan3A_382, %dma_start3A_399] : memref<2x11x8x56xi32, #tpu.memory_space<vmem>> -> memref<1x1x1x56xi32, #tpu.memory_space<vmem>>
        %dma_start3A_401 = tpu.memref_squeeze %dma_start3A_400 : memref<1x1x1x56xi32, #tpu.memory_space<vmem>> -> memref<56xi32, #tpu.memory_space<vmem>>
        %dma_start3A_402 = arith.constant 0 : i32
        %dma_start3A_403 = arith.constant 0 : i32
        %dma_start3A_404 = tpu.memref_slice %arg4[%dma_start3A_402, %dma_start3A_403] : memref<13x16xf32, #tpu.memory_space<hbm>> -> memref<13x16xf32, #tpu.memory_space<hbm>>
        tpu.enqueue_indirect_dma source(%dma_start3A_404 : memref<13x16xf32, #tpu.memory_space<hbm>>) target(%dma_start3A_398 : memref<56x16xf32, #tpu.memory_space<vmem>>) offsets(%dma_start3A_401 : memref<56xi32, #tpu.memory_space<vmem>>) semaphore(%arg37 : memref<!tpu.dma_semaphore, #tpu.memory_space<semaphore_mem>>)
        %dma_start3A_405 = arith.constant 2 : i32
        %dma_start3A_406 = arith.constant 0 : i32
        %dma_start3A_407 = arith.constant 0 : i32
        %dma_start3A_408 = tpu.memref_slice %arg28[%rem3A_189, %scan3A_382, %dma_start3A_406, %dma_start3A_407] : memref<2x8x56x16xf32, #tpu.memory_space<vmem>> -> memref<1x1x56x16xf32, #tpu.memory_space<vmem>>
        %dma_start3A_409 = tpu.memref_squeeze %dma_start3A_408 : memref<1x1x56x16xf32, #tpu.memory_space<vmem>> -> memref<56x16xf32, #tpu.memory_space<vmem>>
        %dma_start3A_410 = arith.constant 0 : i32
        %dma_start3A_411 = tpu.memref_slice %arg25[%rem3A_189, %dma_start3A_405, %scan3A_382, %dma_start3A_410] : memref<2x11x8x56xi32, #tpu.memory_space<vmem>> -> memref<1x1x1x56xi32, #tpu.memory_space<vmem>>
        %dma_start3A_412 = tpu.memref_squeeze %dma_start3A_411 : memref<1x1x1x56xi32, #tpu.memory_space<vmem>> -> memref<56xi32, #tpu.memory_space<vmem>>
        %dma_start3A_413 = arith.constant 0 : i32
        %dma_start3A_414 = arith.constant 0 : i32
        %dma_start3A_415 = tpu.memref_slice %arg5[%dma_start3A_413, %dma_start3A_414] : memref<3x16xf32, #tpu.memory_space<hbm>> -> memref<3x16xf32, #tpu.memory_space<hbm>>
        tpu.enqueue_indirect_dma source(%dma_start3A_415 : memref<3x16xf32, #tpu.memory_space<hbm>>) target(%dma_start3A_409 : memref<56x16xf32, #tpu.memory_space<vmem>>) offsets(%dma_start3A_412 : memref<56xi32, #tpu.memory_space<vmem>>) semaphore(%arg37 : memref<!tpu.dma_semaphore, #tpu.memory_space<semaphore_mem>>)
        %dma_start3A_416 = arith.constant 3 : i32
        %dma_start3A_417 = arith.constant 0 : i32
        %dma_start3A_418 = arith.constant 0 : i32
        %dma_start3A_419 = tpu.memref_slice %arg29[%rem3A_189, %scan3A_382, %dma_start3A_417, %dma_start3A_418] : memref<2x8x56x16xf32, #tpu.memory_space<vmem>> -> memref<1x1x56x16xf32, #tpu.memory_space<vmem>>
        %dma_start3A_420 = tpu.memref_squeeze %dma_start3A_419 : memref<1x1x56x16xf32, #tpu.memory_space<vmem>> -> memref<56x16xf32, #tpu.memory_space<vmem>>
        %dma_start3A_421 = arith.constant 0 : i32
        %dma_start3A_422 = tpu.memref_slice %arg25[%rem3A_189, %dma_start3A_416, %scan3A_382, %dma_start3A_421] : memref<2x11x8x56xi32, #tpu.memory_space<vmem>> -> memref<1x1x1x56xi32, #tpu.memory_space<vmem>>
        %dma_start3A_423 = tpu.memref_squeeze %dma_start3A_422 : memref<1x1x1x56xi32, #tpu.memory_space<vmem>> -> memref<56xi32, #tpu.memory_space<vmem>>
        %dma_start3A_424 = arith.constant 0 : i32
        %dma_start3A_425 = arith.constant 0 : i32
        %dma_start3A_426 = tpu.memref_slice %arg6[%dma_start3A_424, %dma_start3A_425] : memref<4x16xf32, #tpu.memory_space<hbm>> -> memref<4x16xf32, #tpu.memory_space<hbm>>
        tpu.enqueue_indirect_dma source(%dma_start3A_426 : memref<4x16xf32, #tpu.memory_space<hbm>>) target(%dma_start3A_420 : memref<56x16xf32, #tpu.memory_space<vmem>>) offsets(%dma_start3A_423 : memref<56xi32, #tpu.memory_space<vmem>>) semaphore(%arg37 : memref<!tpu.dma_semaphore, #tpu.memory_space<semaphore_mem>>)
        %dma_start3A_427 = arith.constant 4 : i32
        %dma_start3A_428 = arith.constant 0 : i32
        %dma_start3A_429 = arith.constant 0 : i32
        %dma_start3A_430 = tpu.memref_slice %arg30[%rem3A_189, %scan3A_382, %dma_start3A_428, %dma_start3A_429] : memref<2x8x56x16xf32, #tpu.memory_space<vmem>> -> memref<1x1x56x16xf32, #tpu.memory_space<vmem>>
        %dma_start3A_431 = tpu.memref_squeeze %dma_start3A_430 : memref<1x1x56x16xf32, #tpu.memory_space<vmem>> -> memref<56x16xf32, #tpu.memory_space<vmem>>
        %dma_start3A_432 = arith.constant 0 : i32
        %dma_start3A_433 = tpu.memref_slice %arg25[%rem3A_189, %dma_start3A_427, %scan3A_382, %dma_start3A_432] : memref<2x11x8x56xi32, #tpu.memory_space<vmem>> -> memref<1x1x1x56xi32, #tpu.memory_space<vmem>>
        %dma_start3A_434 = tpu.memref_squeeze %dma_start3A_433 : memref<1x1x1x56xi32, #tpu.memory_space<vmem>> -> memref<56xi32, #tpu.memory_space<vmem>>
        %dma_start3A_435 = arith.constant 0 : i32
        %dma_start3A_436 = arith.constant 0 : i32
        %dma_start3A_437 = tpu.memref_slice %arg7[%dma_start3A_435, %dma_start3A_436] : memref<3x16xf32, #tpu.memory_space<hbm>> -> memref<3x16xf32, #tpu.memory_space<hbm>>
        tpu.enqueue_indirect_dma source(%dma_start3A_437 : memref<3x16xf32, #tpu.memory_space<hbm>>) target(%dma_start3A_431 : memref<56x16xf32, #tpu.memory_space<vmem>>) offsets(%dma_start3A_434 : memref<56xi32, #tpu.memory_space<vmem>>) semaphore(%arg37 : memref<!tpu.dma_semaphore, #tpu.memory_space<semaphore_mem>>)
        %dma_start3A_438 = arith.constant 5 : i32
        %dma_start3A_439 = arith.constant 0 : i32
        %dma_start3A_440 = arith.constant 0 : i32
        %dma_start3A_441 = tpu.memref_slice %arg31[%rem3A_189, %scan3A_382, %dma_start3A_439, %dma_start3A_440] : memref<2x8x56x8xf32, #tpu.memory_space<vmem>> -> memref<1x1x56x8xf32, #tpu.memory_space<vmem>>
        %dma_start3A_442 = tpu.memref_squeeze %dma_start3A_441 : memref<1x1x56x8xf32, #tpu.memory_space<vmem>> -> memref<56x8xf32, #tpu.memory_space<vmem>>
        %dma_start3A_443 = arith.constant 0 : i32
        %dma_start3A_444 = tpu.memref_slice %arg25[%rem3A_189, %dma_start3A_438, %scan3A_382, %dma_start3A_443] : memref<2x11x8x56xi32, #tpu.memory_space<vmem>> -> memref<1x1x1x56xi32, #tpu.memory_space<vmem>>
        %dma_start3A_445 = tpu.memref_squeeze %dma_start3A_444 : memref<1x1x1x56xi32, #tpu.memory_space<vmem>> -> memref<56xi32, #tpu.memory_space<vmem>>
        %dma_start3A_446 = arith.constant 0 : i32
        %dma_start3A_447 = arith.constant 0 : i32
        %dma_start3A_448 = tpu.memref_slice %arg8[%dma_start3A_446, %dma_start3A_447] : memref<3x8xf32, #tpu.memory_space<hbm>> -> memref<3x8xf32, #tpu.memory_space<hbm>>
        tpu.enqueue_indirect_dma source(%dma_start3A_448 : memref<3x8xf32, #tpu.memory_space<hbm>>) target(%dma_start3A_442 : memref<56x8xf32, #tpu.memory_space<vmem>>) offsets(%dma_start3A_445 : memref<56xi32, #tpu.memory_space<vmem>>) semaphore(%arg37 : memref<!tpu.dma_semaphore, #tpu.memory_space<semaphore_mem>>)
        %dma_start3A_449 = arith.constant 6 : i32
        %dma_start3A_450 = arith.constant 0 : i32
        %dma_start3A_451 = arith.constant 0 : i32
        %dma_start3A_452 = tpu.memref_slice %arg32[%rem3A_189, %scan3A_382, %dma_start3A_450, %dma_start3A_451] : memref<2x8x56x8xf32, #tpu.memory_space<vmem>> -> memref<1x1x56x8xf32, #tpu.memory_space<vmem>>
        %dma_start3A_453 = tpu.memref_squeeze %dma_start3A_452 : memref<1x1x56x8xf32, #tpu.memory_space<vmem>> -> memref<56x8xf32, #tpu.memory_space<vmem>>
        %dma_start3A_454 = arith.constant 0 : i32
        %dma_start3A_455 = tpu.memref_slice %arg25[%rem3A_189, %dma_start3A_449, %scan3A_382, %dma_start3A_454] : memref<2x11x8x56xi32, #tpu.memory_space<vmem>> -> memref<1x1x1x56xi32, #tpu.memory_space<vmem>>
        %dma_start3A_456 = tpu.memref_squeeze %dma_start3A_455 : memref<1x1x1x56xi32, #tpu.memory_space<vmem>> -> memref<56xi32, #tpu.memory_space<vmem>>
        %dma_start3A_457 = arith.constant 0 : i32
        %dma_start3A_458 = arith.constant 0 : i32
        %dma_start3A_459 = tpu.memref_slice %arg9[%dma_start3A_457, %dma_start3A_458] : memref<9x8xf32, #tpu.memory_space<hbm>> -> memref<9x8xf32, #tpu.memory_space<hbm>>
        tpu.enqueue_indirect_dma source(%dma_start3A_459 : memref<9x8xf32, #tpu.memory_space<hbm>>) target(%dma_start3A_453 : memref<56x8xf32, #tpu.memory_space<vmem>>) offsets(%dma_start3A_456 : memref<56xi32, #tpu.memory_space<vmem>>) semaphore(%arg37 : memref<!tpu.dma_semaphore, #tpu.memory_space<semaphore_mem>>)
        %dma_start3A_460 = arith.constant 7 : i32
        %dma_start3A_461 = arith.constant 0 : i32
        %dma_start3A_462 = arith.constant 0 : i32
        %dma_start3A_463 = tpu.memref_slice %arg33[%rem3A_189, %scan3A_382, %dma_start3A_461, %dma_start3A_462] : memref<2x8x56x8xf32, #tpu.memory_space<vmem>> -> memref<1x1x56x8xf32, #tpu.memory_space<vmem>>
        %dma_start3A_464 = tpu.memref_squeeze %dma_start3A_463 : memref<1x1x56x8xf32, #tpu.memory_space<vmem>> -> memref<56x8xf32, #tpu.memory_space<vmem>>
        %dma_start3A_465 = arith.constant 0 : i32
        %dma_start3A_466 = tpu.memref_slice %arg25[%rem3A_189, %dma_start3A_460, %scan3A_382, %dma_start3A_465] : memref<2x11x8x56xi32, #tpu.memory_space<vmem>> -> memref<1x1x1x56xi32, #tpu.memory_space<vmem>>
        %dma_start3A_467 = tpu.memref_squeeze %dma_start3A_466 : memref<1x1x1x56xi32, #tpu.memory_space<vmem>> -> memref<56xi32, #tpu.memory_space<vmem>>
        %dma_start3A_468 = arith.constant 0 : i32
        %dma_start3A_469 = arith.constant 0 : i32
        %dma_start3A_470 = tpu.memref_slice %arg10[%dma_start3A_468, %dma_start3A_469] : memref<6x8xf32, #tpu.memory_space<hbm>> -> memref<6x8xf32, #tpu.memory_space<hbm>>
        tpu.enqueue_indirect_dma source(%dma_start3A_470 : memref<6x8xf32, #tpu.memory_space<hbm>>) target(%dma_start3A_464 : memref<56x8xf32, #tpu.memory_space<vmem>>) offsets(%dma_start3A_467 : memref<56xi32, #tpu.memory_space<vmem>>) semaphore(%arg37 : memref<!tpu.dma_semaphore, #tpu.memory_space<semaphore_mem>>)
        %dma_start3A_471 = arith.constant 8 : i32
        %dma_start3A_472 = arith.constant 0 : i32
        %dma_start3A_473 = arith.constant 0 : i32
        %dma_start3A_474 = tpu.memref_slice %arg34[%rem3A_189, %scan3A_382, %dma_start3A_472, %dma_start3A_473] : memref<2x8x56x8xf32, #tpu.memory_space<vmem>> -> memref<1x1x56x8xf32, #tpu.memory_space<vmem>>
        %dma_start3A_475 = tpu.memref_squeeze %dma_start3A_474 : memref<1x1x56x8xf32, #tpu.memory_space<vmem>> -> memref<56x8xf32, #tpu.memory_space<vmem>>
        %dma_start3A_476 = arith.constant 0 : i32
        %dma_start3A_477 = tpu.memref_slice %arg25[%rem3A_189, %dma_start3A_471, %scan3A_382, %dma_start3A_476] : memref<2x11x8x56xi32, #tpu.memory_space<vmem>> -> memref<1x1x1x56xi32, #tpu.memory_space<vmem>>
        %dma_start3A_478 = tpu.memref_squeeze %dma_start3A_477 : memref<1x1x1x56xi32, #tpu.memory_space<vmem>> -> memref<56xi32, #tpu.memory_space<vmem>>
        %dma_start3A_479 = arith.constant 0 : i32
        %dma_start3A_480 = arith.constant 0 : i32
        %dma_start3A_481 = tpu.memref_slice %arg11[%dma_start3A_479, %dma_start3A_480] : memref<13x8xf32, #tpu.memory_space<hbm>> -> memref<13x8xf32, #tpu.memory_space<hbm>>
        tpu.enqueue_indirect_dma source(%dma_start3A_481 : memref<13x8xf32, #tpu.memory_space<hbm>>) target(%dma_start3A_475 : memref<56x8xf32, #tpu.memory_space<vmem>>) offsets(%dma_start3A_478 : memref<56xi32, #tpu.memory_space<vmem>>) semaphore(%arg37 : memref<!tpu.dma_semaphore, #tpu.memory_space<semaphore_mem>>)
        %dma_start3A_482 = arith.constant 9 : i32
        %dma_start3A_483 = arith.constant 0 : i32
        %dma_start3A_484 = arith.constant 0 : i32
        %dma_start3A_485 = tpu.memref_slice %arg35[%rem3A_189, %scan3A_382, %dma_start3A_483, %dma_start3A_484] : memref<2x8x56x8xf32, #tpu.memory_space<vmem>> -> memref<1x1x56x8xf32, #tpu.memory_space<vmem>>
        %dma_start3A_486 = tpu.memref_squeeze %dma_start3A_485 : memref<1x1x56x8xf32, #tpu.memory_space<vmem>> -> memref<56x8xf32, #tpu.memory_space<vmem>>
        %dma_start3A_487 = arith.constant 0 : i32
        %dma_start3A_488 = tpu.memref_slice %arg25[%rem3A_189, %dma_start3A_482, %scan3A_382, %dma_start3A_487] : memref<2x11x8x56xi32, #tpu.memory_space<vmem>> -> memref<1x1x1x56xi32, #tpu.memory_space<vmem>>
        %dma_start3A_489 = tpu.memref_squeeze %dma_start3A_488 : memref<1x1x1x56xi32, #tpu.memory_space<vmem>> -> memref<56xi32, #tpu.memory_space<vmem>>
        %dma_start3A_490 = arith.constant 0 : i32
        %dma_start3A_491 = arith.constant 0 : i32
        %dma_start3A_492 = tpu.memref_slice %arg12[%dma_start3A_490, %dma_start3A_491] : memref<31x8xf32, #tpu.memory_space<hbm>> -> memref<31x8xf32, #tpu.memory_space<hbm>>
        tpu.enqueue_indirect_dma source(%dma_start3A_492 : memref<31x8xf32, #tpu.memory_space<hbm>>) target(%dma_start3A_486 : memref<56x8xf32, #tpu.memory_space<vmem>>) offsets(%dma_start3A_489 : memref<56xi32, #tpu.memory_space<vmem>>) semaphore(%arg37 : memref<!tpu.dma_semaphore, #tpu.memory_space<semaphore_mem>>)
        %dma_start3A_493 = arith.constant 10 : i32
        %dma_start3A_494 = arith.constant 0 : i32
        %dma_start3A_495 = arith.constant 0 : i32
        %dma_start3A_496 = tpu.memref_slice %arg36[%rem3A_189, %scan3A_382, %dma_start3A_494, %dma_start3A_495] : memref<2x8x56x8xf32, #tpu.memory_space<vmem>> -> memref<1x1x56x8xf32, #tpu.memory_space<vmem>>
        %dma_start3A_497 = tpu.memref_squeeze %dma_start3A_496 : memref<1x1x56x8xf32, #tpu.memory_space<vmem>> -> memref<56x8xf32, #tpu.memory_space<vmem>>
        %dma_start3A_498 = arith.constant 0 : i32
        %dma_start3A_499 = tpu.memref_slice %arg25[%rem3A_189, %dma_start3A_493, %scan3A_382, %dma_start3A_498] : memref<2x11x8x56xi32, #tpu.memory_space<vmem>> -> memref<1x1x1x56xi32, #tpu.memory_space<vmem>>
        %dma_start3A_500 = tpu.memref_squeeze %dma_start3A_499 : memref<1x1x1x56xi32, #tpu.memory_space<vmem>> -> memref<56xi32, #tpu.memory_space<vmem>>
        %dma_start3A_501 = arith.constant 0 : i32
        %dma_start3A_502 = arith.constant 0 : i32
        %dma_start3A_503 = tpu.memref_slice %arg13[%dma_start3A_501, %dma_start3A_502] : memref<10x8xf32, #tpu.memory_space<hbm>> -> memref<10x8xf32, #tpu.memory_space<hbm>>
        tpu.enqueue_indirect_dma source(%dma_start3A_503 : memref<10x8xf32, #tpu.memory_space<hbm>>) target(%dma_start3A_497 : memref<56x8xf32, #tpu.memory_space<vmem>>) offsets(%dma_start3A_500 : memref<56xi32, #tpu.memory_space<vmem>>) semaphore(%arg37 : memref<!tpu.dma_semaphore, #tpu.memory_space<semaphore_mem>>)
      }
      %scan3A_198 = arith.constant 8 : i32
      %scan3A_199 = arith.constant 0 : i32
      %scan3A_200 = arith.constant 0 : i32
      %scan3A_201 = arith.constant 8 : i32
      %scan3A_202 = arith.addi %scan3A_200, %scan3A_201 : i32
      %scan3A_203 = arith.constant 1 : i32
      scf.for %scan3A_382 = %scan3A_200 to %scan3A_202 step %scan3A_203  : i32 {
        %dma_wait3A_383 = arith.constant 0 : i32
        %dma_wait3A_384 = arith.constant 0 : i32
        %dma_wait3A_385 = arith.constant 0 : i32
        %dma_wait3A_386 = tpu.memref_slice %arg26[%rem3A_189, %scan3A_382, %dma_wait3A_384, %dma_wait3A_385] : memref<2x8x56x16xf32, #tpu.memory_space<vmem>> -> memref<1x1x56x16xf32, #tpu.memory_space<vmem>>
        %dma_wait3A_387 = tpu.memref_squeeze %dma_wait3A_386 : memref<1x1x56x16xf32, #tpu.memory_space<vmem>> -> memref<56x16xf32, #tpu.memory_space<vmem>>
        %dma_wait3A_388 = arith.constant 0 : i32
        %dma_wait3A_389 = tpu.memref_slice %arg25[%rem3A_189, %dma_wait3A_383, %scan3A_382, %dma_wait3A_388] : memref<2x11x8x56xi32, #tpu.memory_space<vmem>> -> memref<1x1x1x56xi32, #tpu.memory_space<vmem>>
        %dma_wait3A_390 = tpu.memref_squeeze %dma_wait3A_389 : memref<1x1x1x56xi32, #tpu.memory_space<vmem>> -> memref<56xi32, #tpu.memory_space<vmem>>
        %dma_wait3A_391 = arith.constant 0 : i32
        %dma_wait3A_392 = arith.constant 0 : i32
        %dma_wait3A_393 = tpu.memref_slice %arg3[%dma_wait3A_391, %dma_wait3A_392] : memref<30x16xf32, #tpu.memory_space<hbm>> -> memref<30x16xf32, #tpu.memory_space<hbm>>
        tpu.wait_indirect_dma semaphore(%arg37 : memref<!tpu.dma_semaphore, #tpu.memory_space<semaphore_mem>>) src(%dma_wait3A_393 : memref<30x16xf32, #tpu.memory_space<hbm>>) dst(%dma_wait3A_387 : memref<56x16xf32, #tpu.memory_space<vmem>>)
        %dma_wait3A_394 = arith.constant 1 : i32
        %dma_wait3A_395 = arith.constant 0 : i32
        %dma_wait3A_396 = arith.constant 0 : i32
        %dma_wait3A_397 = tpu.memref_slice %arg27[%rem3A_189, %scan3A_382, %dma_wait3A_395, %dma_wait3A_396] : memref<2x8x56x16xf32, #tpu.memory_space<vmem>> -> memref<1x1x56x16xf32, #tpu.memory_space<vmem>>
        %dma_wait3A_398 = tpu.memref_squeeze %dma_wait3A_397 : memref<1x1x56x16xf32, #tpu.memory_space<vmem>> -> memref<56x16xf32, #tpu.memory_space<vmem>>
        %dma_wait3A_399 = arith.constant 0 : i32
        %dma_wait3A_400 = tpu.memref_slice %arg25[%rem3A_189, %dma_wait3A_394, %scan3A_382, %dma_wait3A_399] : memref<2x11x8x56xi32, #tpu.memory_space<vmem>> -> memref<1x1x1x56xi32, #tpu.memory_space<vmem>>
        %dma_wait3A_401 = tpu.memref_squeeze %dma_wait3A_400 : memref<1x1x1x56xi32, #tpu.memory_space<vmem>> -> memref<56xi32, #tpu.memory_space<vmem>>
        %dma_wait3A_402 = arith.constant 0 : i32
        %dma_wait3A_403 = arith.constant 0 : i32
        %dma_wait3A_404 = tpu.memref_slice %arg4[%dma_wait3A_402, %dma_wait3A_403] : memref<13x16xf32, #tpu.memory_space<hbm>> -> memref<13x16xf32, #tpu.memory_space<hbm>>
        tpu.wait_indirect_dma semaphore(%arg37 : memref<!tpu.dma_semaphore, #tpu.memory_space<semaphore_mem>>) src(%dma_wait3A_404 : memref<13x16xf32, #tpu.memory_space<hbm>>) dst(%dma_wait3A_398 : memref<56x16xf32, #tpu.memory_space<vmem>>)
        %dma_wait3A_405 = arith.constant 2 : i32
        %dma_wait3A_406 = arith.constant 0 : i32
        %dma_wait3A_407 = arith.constant 0 : i32
        %dma_wait3A_408 = tpu.memref_slice %arg28[%rem3A_189, %scan3A_382, %dma_wait3A_406, %dma_wait3A_407] : memref<2x8x56x16xf32, #tpu.memory_space<vmem>> -> memref<1x1x56x16xf32, #tpu.memory_space<vmem>>
        %dma_wait3A_409 = tpu.memref_squeeze %dma_wait3A_408 : memref<1x1x56x16xf32, #tpu.memory_space<vmem>> -> memref<56x16xf32, #tpu.memory_space<vmem>>
        %dma_wait3A_410 = arith.constant 0 : i32
        %dma_wait3A_411 = tpu.memref_slice %arg25[%rem3A_189, %dma_wait3A_405, %scan3A_382, %dma_wait3A_410] : memref<2x11x8x56xi32, #tpu.memory_space<vmem>> -> memref<1x1x1x56xi32, #tpu.memory_space<vmem>>
        %dma_wait3A_412 = tpu.memref_squeeze %dma_wait3A_411 : memref<1x1x1x56xi32, #tpu.memory_space<vmem>> -> memref<56xi32, #tpu.memory_space<vmem>>
        %dma_wait3A_413 = arith.constant 0 : i32
        %dma_wait3A_414 = arith.constant 0 : i32
        %dma_wait3A_415 = tpu.memref_slice %arg5[%dma_wait3A_413, %dma_wait3A_414] : memref<3x16xf32, #tpu.memory_space<hbm>> -> memref<3x16xf32, #tpu.memory_space<hbm>>
        tpu.wait_indirect_dma semaphore(%arg37 : memref<!tpu.dma_semaphore, #tpu.memory_space<semaphore_mem>>) src(%dma_wait3A_415 : memref<3x16xf32, #tpu.memory_space<hbm>>) dst(%dma_wait3A_409 : memref<56x16xf32, #tpu.memory_space<vmem>>)
        %dma_wait3A_416 = arith.constant 3 : i32
        %dma_wait3A_417 = arith.constant 0 : i32
        %dma_wait3A_418 = arith.constant 0 : i32
        %dma_wait3A_419 = tpu.memref_slice %arg29[%rem3A_189, %scan3A_382, %dma_wait3A_417, %dma_wait3A_418] : memref<2x8x56x16xf32, #tpu.memory_space<vmem>> -> memref<1x1x56x16xf32, #tpu.memory_space<vmem>>
        %dma_wait3A_420 = tpu.memref_squeeze %dma_wait3A_419 : memref<1x1x56x16xf32, #tpu.memory_space<vmem>> -> memref<56x16xf32, #tpu.memory_space<vmem>>
        %dma_wait3A_421 = arith.constant 0 : i32
        %dma_wait3A_422 = tpu.memref_slice %arg25[%rem3A_189, %dma_wait3A_416, %scan3A_382, %dma_wait3A_421] : memref<2x11x8x56xi32, #tpu.memory_space<vmem>> -> memref<1x1x1x56xi32, #tpu.memory_space<vmem>>
        %dma_wait3A_423 = tpu.memref_squeeze %dma_wait3A_422 : memref<1x1x1x56xi32, #tpu.memory_space<vmem>> -> memref<56xi32, #tpu.memory_space<vmem>>
        %dma_wait3A_424 = arith.constant 0 : i32
        %dma_wait3A_425 = arith.constant 0 : i32
        %dma_wait3A_426 = tpu.memref_slice %arg6[%dma_wait3A_424, %dma_wait3A_425] : memref<4x16xf32, #tpu.memory_space<hbm>> -> memref<4x16xf32, #tpu.memory_space<hbm>>
        tpu.wait_indirect_dma semaphore(%arg37 : memref<!tpu.dma_semaphore, #tpu.memory_space<semaphore_mem>>) src(%dma_wait3A_426 : memref<4x16xf32, #tpu.memory_space<hbm>>) dst(%dma_wait3A_420 : memref<56x16xf32, #tpu.memory_space<vmem>>)
        %dma_wait3A_427 = arith.constant 4 : i32
        %dma_wait3A_428 = arith.constant 0 : i32
        %dma_wait3A_429 = arith.constant 0 : i32
        %dma_wait3A_430 = tpu.memref_slice %arg30[%rem3A_189, %scan3A_382, %dma_wait3A_428, %dma_wait3A_429] : memref<2x8x56x16xf32, #tpu.memory_space<vmem>> -> memref<1x1x56x16xf32, #tpu.memory_space<vmem>>
        %dma_wait3A_431 = tpu.memref_squeeze %dma_wait3A_430 : memref<1x1x56x16xf32, #tpu.memory_space<vmem>> -> memref<56x16xf32, #tpu.memory_space<vmem>>
        %dma_wait3A_432 = arith.constant 0 : i32
        %dma_wait3A_433 = tpu.memref_slice %arg25[%rem3A_189, %dma_wait3A_427, %scan3A_382, %dma_wait3A_432] : memref<2x11x8x56xi32, #tpu.memory_space<vmem>> -> memref<1x1x1x56xi32, #tpu.memory_space<vmem>>
        %dma_wait3A_434 = tpu.memref_squeeze %dma_wait3A_433 : memref<1x1x1x56xi32, #tpu.memory_space<vmem>> -> memref<56xi32, #tpu.memory_space<vmem>>
        %dma_wait3A_435 = arith.constant 0 : i32
        %dma_wait3A_436 = arith.constant 0 : i32
        %dma_wait3A_437 = tpu.memref_slice %arg7[%dma_wait3A_435, %dma_wait3A_436] : memref<3x16xf32, #tpu.memory_space<hbm>> -> memref<3x16xf32, #tpu.memory_space<hbm>>
        tpu.wait_indirect_dma semaphore(%arg37 : memref<!tpu.dma_semaphore, #tpu.memory_space<semaphore_mem>>) src(%dma_wait3A_437 : memref<3x16xf32, #tpu.memory_space<hbm>>) dst(%dma_wait3A_431 : memref<56x16xf32, #tpu.memory_space<vmem>>)
        %dma_wait3A_438 = arith.constant 5 : i32
        %dma_wait3A_439 = arith.constant 0 : i32
        %dma_wait3A_440 = arith.constant 0 : i32
        %dma_wait3A_441 = tpu.memref_slice %arg31[%rem3A_189, %scan3A_382, %dma_wait3A_439, %dma_wait3A_440] : memref<2x8x56x8xf32, #tpu.memory_space<vmem>> -> memref<1x1x56x8xf32, #tpu.memory_space<vmem>>
        %dma_wait3A_442 = tpu.memref_squeeze %dma_wait3A_441 : memref<1x1x56x8xf32, #tpu.memory_space<vmem>> -> memref<56x8xf32, #tpu.memory_space<vmem>>
        %dma_wait3A_443 = arith.constant 0 : i32
        %dma_wait3A_444 = tpu.memref_slice %arg25[%rem3A_189, %dma_wait3A_438, %scan3A_382, %dma_wait3A_443] : memref<2x11x8x56xi32, #tpu.memory_space<vmem>> -> memref<1x1x1x56xi32, #tpu.memory_space<vmem>>
        %dma_wait3A_445 = tpu.memref_squeeze %dma_wait3A_444 : memref<1x1x1x56xi32, #tpu.memory_space<vmem>> -> memref<56xi32, #tpu.memory_space<vmem>>
        %dma_wait3A_446 = arith.constant 0 : i32
        %dma_wait3A_447 = arith.constant 0 : i32
        %dma_wait3A_448 = tpu.memref_slice %arg8[%dma_wait3A_446, %dma_wait3A_447] : memref<3x8xf32, #tpu.memory_space<hbm>> -> memref<3x8xf32, #tpu.memory_space<hbm>>
        tpu.wait_indirect_dma semaphore(%arg37 : memref<!tpu.dma_semaphore, #tpu.memory_space<semaphore_mem>>) src(%dma_wait3A_448 : memref<3x8xf32, #tpu.memory_space<hbm>>) dst(%dma_wait3A_442 : memref<56x8xf32, #tpu.memory_space<vmem>>)
        %dma_wait3A_449 = arith.constant 6 : i32
        %dma_wait3A_450 = arith.constant 0 : i32
        %dma_wait3A_451 = arith.constant 0 : i32
        %dma_wait3A_452 = tpu.memref_slice %arg32[%rem3A_189, %scan3A_382, %dma_wait3A_450, %dma_wait3A_451] : memref<2x8x56x8xf32, #tpu.memory_space<vmem>> -> memref<1x1x56x8xf32, #tpu.memory_space<vmem>>
        %dma_wait3A_453 = tpu.memref_squeeze %dma_wait3A_452 : memref<1x1x56x8xf32, #tpu.memory_space<vmem>> -> memref<56x8xf32, #tpu.memory_space<vmem>>
        %dma_wait3A_454 = arith.constant 0 : i32
        %dma_wait3A_455 = tpu.memref_slice %arg25[%rem3A_189, %dma_wait3A_449, %scan3A_382, %dma_wait3A_454] : memref<2x11x8x56xi32, #tpu.memory_space<vmem>> -> memref<1x1x1x56xi32, #tpu.memory_space<vmem>>
        %dma_wait3A_456 = tpu.memref_squeeze %dma_wait3A_455 : memref<1x1x1x56xi32, #tpu.memory_space<vmem>> -> memref<56xi32, #tpu.memory_space<vmem>>
        %dma_wait3A_457 = arith.constant 0 : i32
        %dma_wait3A_458 = arith.constant 0 : i32
        %dma_wait3A_459 = tpu.memref_slice %arg9[%dma_wait3A_457, %dma_wait3A_458] : memref<9x8xf32, #tpu.memory_space<hbm>> -> memref<9x8xf32, #tpu.memory_space<hbm>>
        tpu.wait_indirect_dma semaphore(%arg37 : memref<!tpu.dma_semaphore, #tpu.memory_space<semaphore_mem>>) src(%dma_wait3A_459 : memref<9x8xf32, #tpu.memory_space<hbm>>) dst(%dma_wait3A_453 : memref<56x8xf32, #tpu.memory_space<vmem>>)
        %dma_wait3A_460 = arith.constant 7 : i32
        %dma_wait3A_461 = arith.constant 0 : i32
        %dma_wait3A_462 = arith.constant 0 : i32
        %dma_wait3A_463 = tpu.memref_slice %arg33[%rem3A_189, %scan3A_382, %dma_wait3A_461, %dma_wait3A_462] : memref<2x8x56x8xf32, #tpu.memory_space<vmem>> -> memref<1x1x56x8xf32, #tpu.memory_space<vmem>>
        %dma_wait3A_464 = tpu.memref_squeeze %dma_wait3A_463 : memref<1x1x56x8xf32, #tpu.memory_space<vmem>> -> memref<56x8xf32, #tpu.memory_space<vmem>>
        %dma_wait3A_465 = arith.constant 0 : i32
        %dma_wait3A_466 = tpu.memref_slice %arg25[%rem3A_189, %dma_wait3A_460, %scan3A_382, %dma_wait3A_465] : memref<2x11x8x56xi32, #tpu.memory_space<vmem>> -> memref<1x1x1x56xi32, #tpu.memory_space<vmem>>
        %dma_wait3A_467 = tpu.memref_squeeze %dma_wait3A_466 : memref<1x1x1x56xi32, #tpu.memory_space<vmem>> -> memref<56xi32, #tpu.memory_space<vmem>>
        %dma_wait3A_468 = arith.constant 0 : i32
        %dma_wait3A_469 = arith.constant 0 : i32
        %dma_wait3A_470 = tpu.memref_slice %arg10[%dma_wait3A_468, %dma_wait3A_469] : memref<6x8xf32, #tpu.memory_space<hbm>> -> memref<6x8xf32, #tpu.memory_space<hbm>>
        tpu.wait_indirect_dma semaphore(%arg37 : memref<!tpu.dma_semaphore, #tpu.memory_space<semaphore_mem>>) src(%dma_wait3A_470 : memref<6x8xf32, #tpu.memory_space<hbm>>) dst(%dma_wait3A_464 : memref<56x8xf32, #tpu.memory_space<vmem>>)
        %dma_wait3A_471 = arith.constant 8 : i32
        %dma_wait3A_472 = arith.constant 0 : i32
        %dma_wait3A_473 = arith.constant 0 : i32
        %dma_wait3A_474 = tpu.memref_slice %arg34[%rem3A_189, %scan3A_382, %dma_wait3A_472, %dma_wait3A_473] : memref<2x8x56x8xf32, #tpu.memory_space<vmem>> -> memref<1x1x56x8xf32, #tpu.memory_space<vmem>>
        %dma_wait3A_475 = tpu.memref_squeeze %dma_wait3A_474 : memref<1x1x56x8xf32, #tpu.memory_space<vmem>> -> memref<56x8xf32, #tpu.memory_space<vmem>>
        %dma_wait3A_476 = arith.constant 0 : i32
        %dma_wait3A_477 = tpu.memref_slice %arg25[%rem3A_189, %dma_wait3A_471, %scan3A_382, %dma_wait3A_476] : memref<2x11x8x56xi32, #tpu.memory_space<vmem>> -> memref<1x1x1x56xi32, #tpu.memory_space<vmem>>
        %dma_wait3A_478 = tpu.memref_squeeze %dma_wait3A_477 : memref<1x1x1x56xi32, #tpu.memory_space<vmem>> -> memref<56xi32, #tpu.memory_space<vmem>>
        %dma_wait3A_479 = arith.constant 0 : i32
        %dma_wait3A_480 = arith.constant 0 : i32
        %dma_wait3A_481 = tpu.memref_slice %arg11[%dma_wait3A_479, %dma_wait3A_480] : memref<13x8xf32, #tpu.memory_space<hbm>> -> memref<13x8xf32, #tpu.memory_space<hbm>>
        tpu.wait_indirect_dma semaphore(%arg37 : memref<!tpu.dma_semaphore, #tpu.memory_space<semaphore_mem>>) src(%dma_wait3A_481 : memref<13x8xf32, #tpu.memory_space<hbm>>) dst(%dma_wait3A_475 : memref<56x8xf32, #tpu.memory_space<vmem>>)
        %dma_wait3A_482 = arith.constant 9 : i32
        %dma_wait3A_483 = arith.constant 0 : i32
        %dma_wait3A_484 = arith.constant 0 : i32
        %dma_wait3A_485 = tpu.memref_slice %arg35[%rem3A_189, %scan3A_382, %dma_wait3A_483, %dma_wait3A_484] : memref<2x8x56x8xf32, #tpu.memory_space<vmem>> -> memref<1x1x56x8xf32, #tpu.memory_space<vmem>>
        %dma_wait3A_486 = tpu.memref_squeeze %dma_wait3A_485 : memref<1x1x56x8xf32, #tpu.memory_space<vmem>> -> memref<56x8xf32, #tpu.memory_space<vmem>>
        %dma_wait3A_487 = arith.constant 0 : i32
        %dma_wait3A_488 = tpu.memref_slice %arg25[%rem3A_189, %dma_wait3A_482, %scan3A_382, %dma_wait3A_487] : memref<2x11x8x56xi32, #tpu.memory_space<vmem>> -> memref<1x1x1x56xi32, #tpu.memory_space<vmem>>
        %dma_wait3A_489 = tpu.memref_squeeze %dma_wait3A_488 : memref<1x1x1x56xi32, #tpu.memory_space<vmem>> -> memref<56xi32, #tpu.memory_space<vmem>>
        %dma_wait3A_490 = arith.constant 0 : i32
        %dma_wait3A_491 = arith.constant 0 : i32
        %dma_wait3A_492 = tpu.memref_slice %arg12[%dma_wait3A_490, %dma_wait3A_491] : memref<31x8xf32, #tpu.memory_space<hbm>> -> memref<31x8xf32, #tpu.memory_space<hbm>>
        tpu.wait_indirect_dma semaphore(%arg37 : memref<!tpu.dma_semaphore, #tpu.memory_space<semaphore_mem>>) src(%dma_wait3A_492 : memref<31x8xf32, #tpu.memory_space<hbm>>) dst(%dma_wait3A_486 : memref<56x8xf32, #tpu.memory_space<vmem>>)
        %dma_wait3A_493 = arith.constant 10 : i32
        %dma_wait3A_494 = arith.constant 0 : i32
        %dma_wait3A_495 = arith.constant 0 : i32
        %dma_wait3A_496 = tpu.memref_slice %arg36[%rem3A_189, %scan3A_382, %dma_wait3A_494, %dma_wait3A_495] : memref<2x8x56x8xf32, #tpu.memory_space<vmem>> -> memref<1x1x56x8xf32, #tpu.memory_space<vmem>>
        %dma_wait3A_497 = tpu.memref_squeeze %dma_wait3A_496 : memref<1x1x56x8xf32, #tpu.memory_space<vmem>> -> memref<56x8xf32, #tpu.memory_space<vmem>>
        %dma_wait3A_498 = arith.constant 0 : i32
        %dma_wait3A_499 = tpu.memref_slice %arg25[%rem3A_189, %dma_wait3A_493, %scan3A_382, %dma_wait3A_498] : memref<2x11x8x56xi32, #tpu.memory_space<vmem>> -> memref<1x1x1x56xi32, #tpu.memory_space<vmem>>
        %dma_wait3A_500 = tpu.memref_squeeze %dma_wait3A_499 : memref<1x1x1x56xi32, #tpu.memory_space<vmem>> -> memref<56xi32, #tpu.memory_space<vmem>>
        %dma_wait3A_501 = arith.constant 0 : i32
        %dma_wait3A_502 = arith.constant 0 : i32
        %dma_wait3A_503 = tpu.memref_slice %arg13[%dma_wait3A_501, %dma_wait3A_502] : memref<10x8xf32, #tpu.memory_space<hbm>> -> memref<10x8xf32, #tpu.memory_space<hbm>>
        tpu.wait_indirect_dma semaphore(%arg37 : memref<!tpu.dma_semaphore, #tpu.memory_space<semaphore_mem>>) src(%dma_wait3A_503 : memref<10x8xf32, #tpu.memory_space<hbm>>) dst(%dma_wait3A_497 : memref<56x8xf32, #tpu.memory_space<vmem>>)
      }
      %scan3A_204 = arith.constant 8 : i32
      %ge3A = arith.constant 1 : i32
      %ge3A_205 = arith.cmpi sge, %scan3A_187, %ge3A : i32
      %convert_element_type3A = arith.extui %ge3A_205 : i1 to i32
      %cond3A = arith.constant 0 : i32
      %cond3A_206 = arith.cmpi ne, %convert_element_type3A, %cond3A : i32
      scf.if %cond3A_206 {
        %sub3A = arith.constant 1 : i32
        %sub3A_382 = arith.subi %sub3A, %rem3A_189 : i32
        %sub3A_383 = arith.constant 8 : i32
        %sub3A_384 = arith.subi %add3A_192, %sub3A_383 : i32
        %dma_wait3A_385 = arith.constant 0 : i32
        %dma_wait3A_386 = arith.constant 0 : i32
        %dma_wait3A_387 = arith.constant 0 : i32
        %dma_wait3A_388 = tpu.memref_slice %arg26[%sub3A_382, %dma_wait3A_385, %dma_wait3A_386, %dma_wait3A_387] : memref<2x8x56x16xf32, #tpu.memory_space<vmem>> -> memref<1x8x50x16xf32, #tpu.memory_space<vmem>>
        %dma_wait3A_389 = tpu.memref_squeeze %dma_wait3A_388 : memref<1x8x50x16xf32, #tpu.memory_space<vmem>> -> memref<8x50x16xf32, #tpu.memory_space<vmem>>
        %dma_wait3A_390 = arith.constant 0 : i32
        %dma_wait3A_391 = arith.constant 0 : i32
        %dma_wait3A_392 = tpu.memref_slice %arg14[%sub3A_384, %dma_wait3A_390, %dma_wait3A_391] : memref<4096x50x16xf32, #tpu.memory_space<hbm>> -> memref<8x50x16xf32, #tpu.memory_space<hbm>>
        %dma_wait3A_393 = arith.constant 0 : i32
        %dma_wait3A_394 = arith.constant 0 : i32
        %dma_wait3A_395 = tpu.memref_slice %arg14[%sub3A_384, %dma_wait3A_393, %dma_wait3A_394] : memref<4096x50x16xf32, #tpu.memory_space<hbm>> -> memref<8x50x16xf32, #tpu.memory_space<hbm>>
        %dma_wait3A_396 = arith.constant 0 : i32
        %dma_wait3A_397 = arith.constant 0 : i32
        %dma_wait3A_398 = arith.constant 0 : i32
        %dma_wait3A_399 = tpu.memref_slice %arg26[%sub3A_382, %dma_wait3A_396, %dma_wait3A_397, %dma_wait3A_398] : memref<2x8x56x16xf32, #tpu.memory_space<vmem>> -> memref<1x8x50x16xf32, #tpu.memory_space<vmem>>
        %dma_wait3A_400 = tpu.memref_squeeze %dma_wait3A_399 : memref<1x8x50x16xf32, #tpu.memory_space<vmem>> -> memref<8x50x16xf32, #tpu.memory_space<vmem>>
        tpu.wait_dma2 semaphore(%arg38 : memref<!tpu.dma_semaphore, #tpu.memory_space<semaphore_mem>>) src(%dma_wait3A_400 : memref<8x50x16xf32, #tpu.memory_space<vmem>>) dst(%dma_wait3A_395 : memref<8x50x16xf32, #tpu.memory_space<hbm>>)
        %dma_wait3A_401 = arith.constant 0 : i32
        %dma_wait3A_402 = arith.constant 0 : i32
        %dma_wait3A_403 = arith.constant 0 : i32
        %dma_wait3A_404 = tpu.memref_slice %arg27[%sub3A_382, %dma_wait3A_401, %dma_wait3A_402, %dma_wait3A_403] : memref<2x8x56x16xf32, #tpu.memory_space<vmem>> -> memref<1x8x50x16xf32, #tpu.memory_space<vmem>>
        %dma_wait3A_405 = tpu.memref_squeeze %dma_wait3A_404 : memref<1x8x50x16xf32, #tpu.memory_space<vmem>> -> memref<8x50x16xf32, #tpu.memory_space<vmem>>
        %dma_wait3A_406 = arith.constant 0 : i32
        %dma_wait3A_407 = arith.constant 0 : i32
        %dma_wait3A_408 = tpu.memref_slice %arg15[%sub3A_384, %dma_wait3A_406, %dma_wait3A_407] : memref<4096x50x16xf32, #tpu.memory_space<hbm>> -> memref<8x50x16xf32, #tpu.memory_space<hbm>>
        %dma_wait3A_409 = arith.constant 0 : i32
        %dma_wait3A_410 = arith.constant 0 : i32
        %dma_wait3A_411 = tpu.memref_slice %arg15[%sub3A_384, %dma_wait3A_409, %dma_wait3A_410] : memref<4096x50x16xf32, #tpu.memory_space<hbm>> -> memref<8x50x16xf32, #tpu.memory_space<hbm>>
        %dma_wait3A_412 = arith.constant 0 : i32
        %dma_wait3A_413 = arith.constant 0 : i32
        %dma_wait3A_414 = arith.constant 0 : i32
        %dma_wait3A_415 = tpu.memref_slice %arg27[%sub3A_382, %dma_wait3A_412, %dma_wait3A_413, %dma_wait3A_414] : memref<2x8x56x16xf32, #tpu.memory_space<vmem>> -> memref<1x8x50x16xf32, #tpu.memory_space<vmem>>
        %dma_wait3A_416 = tpu.memref_squeeze %dma_wait3A_415 : memref<1x8x50x16xf32, #tpu.memory_space<vmem>> -> memref<8x50x16xf32, #tpu.memory_space<vmem>>
        tpu.wait_dma2 semaphore(%arg38 : memref<!tpu.dma_semaphore, #tpu.memory_space<semaphore_mem>>) src(%dma_wait3A_416 : memref<8x50x16xf32, #tpu.memory_space<vmem>>) dst(%dma_wait3A_411 : memref<8x50x16xf32, #tpu.memory_space<hbm>>)
        %dma_wait3A_417 = arith.constant 0 : i32
        %dma_wait3A_418 = arith.constant 0 : i32
        %dma_wait3A_419 = arith.constant 0 : i32
        %dma_wait3A_420 = tpu.memref_slice %arg28[%sub3A_382, %dma_wait3A_417, %dma_wait3A_418, %dma_wait3A_419] : memref<2x8x56x16xf32, #tpu.memory_space<vmem>> -> memref<1x8x50x16xf32, #tpu.memory_space<vmem>>
        %dma_wait3A_421 = tpu.memref_squeeze %dma_wait3A_420 : memref<1x8x50x16xf32, #tpu.memory_space<vmem>> -> memref<8x50x16xf32, #tpu.memory_space<vmem>>
        %dma_wait3A_422 = arith.constant 0 : i32
        %dma_wait3A_423 = arith.constant 0 : i32
        %dma_wait3A_424 = tpu.memref_slice %arg16[%sub3A_384, %dma_wait3A_422, %dma_wait3A_423] : memref<4096x50x16xf32, #tpu.memory_space<hbm>> -> memref<8x50x16xf32, #tpu.memory_space<hbm>>
        %dma_wait3A_425 = arith.constant 0 : i32
        %dma_wait3A_426 = arith.constant 0 : i32
        %dma_wait3A_427 = tpu.memref_slice %arg16[%sub3A_384, %dma_wait3A_425, %dma_wait3A_426] : memref<4096x50x16xf32, #tpu.memory_space<hbm>> -> memref<8x50x16xf32, #tpu.memory_space<hbm>>
        %dma_wait3A_428 = arith.constant 0 : i32
        %dma_wait3A_429 = arith.constant 0 : i32
        %dma_wait3A_430 = arith.constant 0 : i32
        %dma_wait3A_431 = tpu.memref_slice %arg28[%sub3A_382, %dma_wait3A_428, %dma_wait3A_429, %dma_wait3A_430] : memref<2x8x56x16xf32, #tpu.memory_space<vmem>> -> memref<1x8x50x16xf32, #tpu.memory_space<vmem>>
        %dma_wait3A_432 = tpu.memref_squeeze %dma_wait3A_431 : memref<1x8x50x16xf32, #tpu.memory_space<vmem>> -> memref<8x50x16xf32, #tpu.memory_space<vmem>>
        tpu.wait_dma2 semaphore(%arg38 : memref<!tpu.dma_semaphore, #tpu.memory_space<semaphore_mem>>) src(%dma_wait3A_432 : memref<8x50x16xf32, #tpu.memory_space<vmem>>) dst(%dma_wait3A_427 : memref<8x50x16xf32, #tpu.memory_space<hbm>>)
        %dma_wait3A_433 = arith.constant 0 : i32
        %dma_wait3A_434 = arith.constant 0 : i32
        %dma_wait3A_435 = arith.constant 0 : i32
        %dma_wait3A_436 = tpu.memref_slice %arg29[%sub3A_382, %dma_wait3A_433, %dma_wait3A_434, %dma_wait3A_435] : memref<2x8x56x16xf32, #tpu.memory_space<vmem>> -> memref<1x8x50x16xf32, #tpu.memory_space<vmem>>
        %dma_wait3A_437 = tpu.memref_squeeze %dma_wait3A_436 : memref<1x8x50x16xf32, #tpu.memory_space<vmem>> -> memref<8x50x16xf32, #tpu.memory_space<vmem>>
        %dma_wait3A_438 = arith.constant 0 : i32
        %dma_wait3A_439 = arith.constant 0 : i32
        %dma_wait3A_440 = tpu.memref_slice %arg17[%sub3A_384, %dma_wait3A_438, %dma_wait3A_439] : memref<4096x50x16xf32, #tpu.memory_space<hbm>> -> memref<8x50x16xf32, #tpu.memory_space<hbm>>
        %dma_wait3A_441 = arith.constant 0 : i32
        %dma_wait3A_442 = arith.constant 0 : i32
        %dma_wait3A_443 = tpu.memref_slice %arg17[%sub3A_384, %dma_wait3A_441, %dma_wait3A_442] : memref<4096x50x16xf32, #tpu.memory_space<hbm>> -> memref<8x50x16xf32, #tpu.memory_space<hbm>>
        %dma_wait3A_444 = arith.constant 0 : i32
        %dma_wait3A_445 = arith.constant 0 : i32
        %dma_wait3A_446 = arith.constant 0 : i32
        %dma_wait3A_447 = tpu.memref_slice %arg29[%sub3A_382, %dma_wait3A_444, %dma_wait3A_445, %dma_wait3A_446] : memref<2x8x56x16xf32, #tpu.memory_space<vmem>> -> memref<1x8x50x16xf32, #tpu.memory_space<vmem>>
        %dma_wait3A_448 = tpu.memref_squeeze %dma_wait3A_447 : memref<1x8x50x16xf32, #tpu.memory_space<vmem>> -> memref<8x50x16xf32, #tpu.memory_space<vmem>>
        tpu.wait_dma2 semaphore(%arg38 : memref<!tpu.dma_semaphore, #tpu.memory_space<semaphore_mem>>) src(%dma_wait3A_448 : memref<8x50x16xf32, #tpu.memory_space<vmem>>) dst(%dma_wait3A_443 : memref<8x50x16xf32, #tpu.memory_space<hbm>>)
        %dma_wait3A_449 = arith.constant 0 : i32
        %dma_wait3A_450 = arith.constant 0 : i32
        %dma_wait3A_451 = arith.constant 0 : i32
        %dma_wait3A_452 = tpu.memref_slice %arg30[%sub3A_382, %dma_wait3A_449, %dma_wait3A_450, %dma_wait3A_451] : memref<2x8x56x16xf32, #tpu.memory_space<vmem>> -> memref<1x8x50x16xf32, #tpu.memory_space<vmem>>
        %dma_wait3A_453 = tpu.memref_squeeze %dma_wait3A_452 : memref<1x8x50x16xf32, #tpu.memory_space<vmem>> -> memref<8x50x16xf32, #tpu.memory_space<vmem>>
        %dma_wait3A_454 = arith.constant 0 : i32
        %dma_wait3A_455 = arith.constant 0 : i32
        %dma_wait3A_456 = tpu.memref_slice %arg18[%sub3A_384, %dma_wait3A_454, %dma_wait3A_455] : memref<4096x50x16xf32, #tpu.memory_space<hbm>> -> memref<8x50x16xf32, #tpu.memory_space<hbm>>
        %dma_wait3A_457 = arith.constant 0 : i32
        %dma_wait3A_458 = arith.constant 0 : i32
        %dma_wait3A_459 = tpu.memref_slice %arg18[%sub3A_384, %dma_wait3A_457, %dma_wait3A_458] : memref<4096x50x16xf32, #tpu.memory_space<hbm>> -> memref<8x50x16xf32, #tpu.memory_space<hbm>>
        %dma_wait3A_460 = arith.constant 0 : i32
        %dma_wait3A_461 = arith.constant 0 : i32
        %dma_wait3A_462 = arith.constant 0 : i32
        %dma_wait3A_463 = tpu.memref_slice %arg30[%sub3A_382, %dma_wait3A_460, %dma_wait3A_461, %dma_wait3A_462] : memref<2x8x56x16xf32, #tpu.memory_space<vmem>> -> memref<1x8x50x16xf32, #tpu.memory_space<vmem>>
        %dma_wait3A_464 = tpu.memref_squeeze %dma_wait3A_463 : memref<1x8x50x16xf32, #tpu.memory_space<vmem>> -> memref<8x50x16xf32, #tpu.memory_space<vmem>>
        tpu.wait_dma2 semaphore(%arg38 : memref<!tpu.dma_semaphore, #tpu.memory_space<semaphore_mem>>) src(%dma_wait3A_464 : memref<8x50x16xf32, #tpu.memory_space<vmem>>) dst(%dma_wait3A_459 : memref<8x50x16xf32, #tpu.memory_space<hbm>>)
        %dma_wait3A_465 = arith.constant 0 : i32
        %dma_wait3A_466 = arith.constant 0 : i32
        %dma_wait3A_467 = arith.constant 0 : i32
        %dma_wait3A_468 = tpu.memref_slice %arg31[%sub3A_382, %dma_wait3A_465, %dma_wait3A_466, %dma_wait3A_467] : memref<2x8x56x8xf32, #tpu.memory_space<vmem>> -> memref<1x8x50x8xf32, #tpu.memory_space<vmem>>
        %dma_wait3A_469 = tpu.memref_squeeze %dma_wait3A_468 : memref<1x8x50x8xf32, #tpu.memory_space<vmem>> -> memref<8x50x8xf32, #tpu.memory_space<vmem>>
        %dma_wait3A_470 = arith.constant 0 : i32
        %dma_wait3A_471 = arith.constant 0 : i32
        %dma_wait3A_472 = tpu.memref_slice %arg19[%sub3A_384, %dma_wait3A_470, %dma_wait3A_471] : memref<4096x50x8xf32, #tpu.memory_space<hbm>> -> memref<8x50x8xf32, #tpu.memory_space<hbm>>
        %dma_wait3A_473 = arith.constant 0 : i32
        %dma_wait3A_474 = arith.constant 0 : i32
        %dma_wait3A_475 = tpu.memref_slice %arg19[%sub3A_384, %dma_wait3A_473, %dma_wait3A_474] : memref<4096x50x8xf32, #tpu.memory_space<hbm>> -> memref<8x50x8xf32, #tpu.memory_space<hbm>>
        %dma_wait3A_476 = arith.constant 0 : i32
        %dma_wait3A_477 = arith.constant 0 : i32
        %dma_wait3A_478 = arith.constant 0 : i32
        %dma_wait3A_479 = tpu.memref_slice %arg31[%sub3A_382, %dma_wait3A_476, %dma_wait3A_477, %dma_wait3A_478] : memref<2x8x56x8xf32, #tpu.memory_space<vmem>> -> memref<1x8x50x8xf32, #tpu.memory_space<vmem>>
        %dma_wait3A_480 = tpu.memref_squeeze %dma_wait3A_479 : memref<1x8x50x8xf32, #tpu.memory_space<vmem>> -> memref<8x50x8xf32, #tpu.memory_space<vmem>>
        tpu.wait_dma2 semaphore(%arg38 : memref<!tpu.dma_semaphore, #tpu.memory_space<semaphore_mem>>) src(%dma_wait3A_480 : memref<8x50x8xf32, #tpu.memory_space<vmem>>) dst(%dma_wait3A_475 : memref<8x50x8xf32, #tpu.memory_space<hbm>>)
        %dma_wait3A_481 = arith.constant 0 : i32
        %dma_wait3A_482 = arith.constant 0 : i32
        %dma_wait3A_483 = arith.constant 0 : i32
        %dma_wait3A_484 = tpu.memref_slice %arg32[%sub3A_382, %dma_wait3A_481, %dma_wait3A_482, %dma_wait3A_483] : memref<2x8x56x8xf32, #tpu.memory_space<vmem>> -> memref<1x8x50x8xf32, #tpu.memory_space<vmem>>
        %dma_wait3A_485 = tpu.memref_squeeze %dma_wait3A_484 : memref<1x8x50x8xf32, #tpu.memory_space<vmem>> -> memref<8x50x8xf32, #tpu.memory_space<vmem>>
        %dma_wait3A_486 = arith.constant 0 : i32
        %dma_wait3A_487 = arith.constant 0 : i32
        %dma_wait3A_488 = tpu.memref_slice %arg20[%sub3A_384, %dma_wait3A_486, %dma_wait3A_487] : memref<4096x50x8xf32, #tpu.memory_space<hbm>> -> memref<8x50x8xf32, #tpu.memory_space<hbm>>
        %dma_wait3A_489 = arith.constant 0 : i32
        %dma_wait3A_490 = arith.constant 0 : i32
        %dma_wait3A_491 = tpu.memref_slice %arg20[%sub3A_384, %dma_wait3A_489, %dma_wait3A_490] : memref<4096x50x8xf32, #tpu.memory_space<hbm>> -> memref<8x50x8xf32, #tpu.memory_space<hbm>>
        %dma_wait3A_492 = arith.constant 0 : i32
        %dma_wait3A_493 = arith.constant 0 : i32
        %dma_wait3A_494 = arith.constant 0 : i32
        %dma_wait3A_495 = tpu.memref_slice %arg32[%sub3A_382, %dma_wait3A_492, %dma_wait3A_493, %dma_wait3A_494] : memref<2x8x56x8xf32, #tpu.memory_space<vmem>> -> memref<1x8x50x8xf32, #tpu.memory_space<vmem>>
        %dma_wait3A_496 = tpu.memref_squeeze %dma_wait3A_495 : memref<1x8x50x8xf32, #tpu.memory_space<vmem>> -> memref<8x50x8xf32, #tpu.memory_space<vmem>>
        tpu.wait_dma2 semaphore(%arg38 : memref<!tpu.dma_semaphore, #tpu.memory_space<semaphore_mem>>) src(%dma_wait3A_496 : memref<8x50x8xf32, #tpu.memory_space<vmem>>) dst(%dma_wait3A_491 : memref<8x50x8xf32, #tpu.memory_space<hbm>>)
        %dma_wait3A_497 = arith.constant 0 : i32
        %dma_wait3A_498 = arith.constant 0 : i32
        %dma_wait3A_499 = arith.constant 0 : i32
        %dma_wait3A_500 = tpu.memref_slice %arg33[%sub3A_382, %dma_wait3A_497, %dma_wait3A_498, %dma_wait3A_499] : memref<2x8x56x8xf32, #tpu.memory_space<vmem>> -> memref<1x8x50x8xf32, #tpu.memory_space<vmem>>
        %dma_wait3A_501 = tpu.memref_squeeze %dma_wait3A_500 : memref<1x8x50x8xf32, #tpu.memory_space<vmem>> -> memref<8x50x8xf32, #tpu.memory_space<vmem>>
        %dma_wait3A_502 = arith.constant 0 : i32
        %dma_wait3A_503 = arith.constant 0 : i32
        %dma_wait3A_504 = tpu.memref_slice %arg21[%sub3A_384, %dma_wait3A_502, %dma_wait3A_503] : memref<4096x50x8xf32, #tpu.memory_space<hbm>> -> memref<8x50x8xf32, #tpu.memory_space<hbm>>
        %dma_wait3A_505 = arith.constant 0 : i32
        %dma_wait3A_506 = arith.constant 0 : i32
        %dma_wait3A_507 = tpu.memref_slice %arg21[%sub3A_384, %dma_wait3A_505, %dma_wait3A_506] : memref<4096x50x8xf32, #tpu.memory_space<hbm>> -> memref<8x50x8xf32, #tpu.memory_space<hbm>>
        %dma_wait3A_508 = arith.constant 0 : i32
        %dma_wait3A_509 = arith.constant 0 : i32
        %dma_wait3A_510 = arith.constant 0 : i32
        %dma_wait3A_511 = tpu.memref_slice %arg33[%sub3A_382, %dma_wait3A_508, %dma_wait3A_509, %dma_wait3A_510] : memref<2x8x56x8xf32, #tpu.memory_space<vmem>> -> memref<1x8x50x8xf32, #tpu.memory_space<vmem>>
        %dma_wait3A_512 = tpu.memref_squeeze %dma_wait3A_511 : memref<1x8x50x8xf32, #tpu.memory_space<vmem>> -> memref<8x50x8xf32, #tpu.memory_space<vmem>>
        tpu.wait_dma2 semaphore(%arg38 : memref<!tpu.dma_semaphore, #tpu.memory_space<semaphore_mem>>) src(%dma_wait3A_512 : memref<8x50x8xf32, #tpu.memory_space<vmem>>) dst(%dma_wait3A_507 : memref<8x50x8xf32, #tpu.memory_space<hbm>>)
        %dma_wait3A_513 = arith.constant 0 : i32
        %dma_wait3A_514 = arith.constant 0 : i32
        %dma_wait3A_515 = arith.constant 0 : i32
        %dma_wait3A_516 = tpu.memref_slice %arg34[%sub3A_382, %dma_wait3A_513, %dma_wait3A_514, %dma_wait3A_515] : memref<2x8x56x8xf32, #tpu.memory_space<vmem>> -> memref<1x8x50x8xf32, #tpu.memory_space<vmem>>
        %dma_wait3A_517 = tpu.memref_squeeze %dma_wait3A_516 : memref<1x8x50x8xf32, #tpu.memory_space<vmem>> -> memref<8x50x8xf32, #tpu.memory_space<vmem>>
        %dma_wait3A_518 = arith.constant 0 : i32
        %dma_wait3A_519 = arith.constant 0 : i32
        %dma_wait3A_520 = tpu.memref_slice %arg22[%sub3A_384, %dma_wait3A_518, %dma_wait3A_519] : memref<4096x50x8xf32, #tpu.memory_space<hbm>> -> memref<8x50x8xf32, #tpu.memory_space<hbm>>
        %dma_wait3A_521 = arith.constant 0 : i32
        %dma_wait3A_522 = arith.constant 0 : i32
        %dma_wait3A_523 = tpu.memref_slice %arg22[%sub3A_384, %dma_wait3A_521, %dma_wait3A_522] : memref<4096x50x8xf32, #tpu.memory_space<hbm>> -> memref<8x50x8xf32, #tpu.memory_space<hbm>>
        %dma_wait3A_524 = arith.constant 0 : i32
        %dma_wait3A_525 = arith.constant 0 : i32
        %dma_wait3A_526 = arith.constant 0 : i32
        %dma_wait3A_527 = tpu.memref_slice %arg34[%sub3A_382, %dma_wait3A_524, %dma_wait3A_525, %dma_wait3A_526] : memref<2x8x56x8xf32, #tpu.memory_space<vmem>> -> memref<1x8x50x8xf32, #tpu.memory_space<vmem>>
        %dma_wait3A_528 = tpu.memref_squeeze %dma_wait3A_527 : memref<1x8x50x8xf32, #tpu.memory_space<vmem>> -> memref<8x50x8xf32, #tpu.memory_space<vmem>>
        tpu.wait_dma2 semaphore(%arg38 : memref<!tpu.dma_semaphore, #tpu.memory_space<semaphore_mem>>) src(%dma_wait3A_528 : memref<8x50x8xf32, #tpu.memory_space<vmem>>) dst(%dma_wait3A_523 : memref<8x50x8xf32, #tpu.memory_space<hbm>>)
        %dma_wait3A_529 = arith.constant 0 : i32
        %dma_wait3A_530 = arith.constant 0 : i32
        %dma_wait3A_531 = arith.constant 0 : i32
        %dma_wait3A_532 = tpu.memref_slice %arg35[%sub3A_382, %dma_wait3A_529, %dma_wait3A_530, %dma_wait3A_531] : memref<2x8x56x8xf32, #tpu.memory_space<vmem>> -> memref<1x8x50x8xf32, #tpu.memory_space<vmem>>
        %dma_wait3A_533 = tpu.memref_squeeze %dma_wait3A_532 : memref<1x8x50x8xf32, #tpu.memory_space<vmem>> -> memref<8x50x8xf32, #tpu.memory_space<vmem>>
        %dma_wait3A_534 = arith.constant 0 : i32
        %dma_wait3A_535 = arith.constant 0 : i32
        %dma_wait3A_536 = tpu.memref_slice %arg23[%sub3A_384, %dma_wait3A_534, %dma_wait3A_535] : memref<4096x50x8xf32, #tpu.memory_space<hbm>> -> memref<8x50x8xf32, #tpu.memory_space<hbm>>
        %dma_wait3A_537 = arith.constant 0 : i32
        %dma_wait3A_538 = arith.constant 0 : i32
        %dma_wait3A_539 = tpu.memref_slice %arg23[%sub3A_384, %dma_wait3A_537, %dma_wait3A_538] : memref<4096x50x8xf32, #tpu.memory_space<hbm>> -> memref<8x50x8xf32, #tpu.memory_space<hbm>>
        %dma_wait3A_540 = arith.constant 0 : i32
        %dma_wait3A_541 = arith.constant 0 : i32
        %dma_wait3A_542 = arith.constant 0 : i32
        %dma_wait3A_543 = tpu.memref_slice %arg35[%sub3A_382, %dma_wait3A_540, %dma_wait3A_541, %dma_wait3A_542] : memref<2x8x56x8xf32, #tpu.memory_space<vmem>> -> memref<1x8x50x8xf32, #tpu.memory_space<vmem>>
        %dma_wait3A_544 = tpu.memref_squeeze %dma_wait3A_543 : memref<1x8x50x8xf32, #tpu.memory_space<vmem>> -> memref<8x50x8xf32, #tpu.memory_space<vmem>>
        tpu.wait_dma2 semaphore(%arg38 : memref<!tpu.dma_semaphore, #tpu.memory_space<semaphore_mem>>) src(%dma_wait3A_544 : memref<8x50x8xf32, #tpu.memory_space<vmem>>) dst(%dma_wait3A_539 : memref<8x50x8xf32, #tpu.memory_space<hbm>>)
        %dma_wait3A_545 = arith.constant 0 : i32
        %dma_wait3A_546 = arith.constant 0 : i32
        %dma_wait3A_547 = arith.constant 0 : i32
        %dma_wait3A_548 = tpu.memref_slice %arg36[%sub3A_382, %dma_wait3A_545, %dma_wait3A_546, %dma_wait3A_547] : memref<2x8x56x8xf32, #tpu.memory_space<vmem>> -> memref<1x8x50x8xf32, #tpu.memory_space<vmem>>
        %dma_wait3A_549 = tpu.memref_squeeze %dma_wait3A_548 : memref<1x8x50x8xf32, #tpu.memory_space<vmem>> -> memref<8x50x8xf32, #tpu.memory_space<vmem>>
        %dma_wait3A_550 = arith.constant 0 : i32
        %dma_wait3A_551 = arith.constant 0 : i32
        %dma_wait3A_552 = tpu.memref_slice %arg24[%sub3A_384, %dma_wait3A_550, %dma_wait3A_551] : memref<4096x50x8xf32, #tpu.memory_space<hbm>> -> memref<8x50x8xf32, #tpu.memory_space<hbm>>
        %dma_wait3A_553 = arith.constant 0 : i32
        %dma_wait3A_554 = arith.constant 0 : i32
        %dma_wait3A_555 = tpu.memref_slice %arg24[%sub3A_384, %dma_wait3A_553, %dma_wait3A_554] : memref<4096x50x8xf32, #tpu.memory_space<hbm>> -> memref<8x50x8xf32, #tpu.memory_space<hbm>>
        %dma_wait3A_556 = arith.constant 0 : i32
        %dma_wait3A_557 = arith.constant 0 : i32
        %dma_wait3A_558 = arith.constant 0 : i32
        %dma_wait3A_559 = tpu.memref_slice %arg36[%sub3A_382, %dma_wait3A_556, %dma_wait3A_557, %dma_wait3A_558] : memref<2x8x56x8xf32, #tpu.memory_space<vmem>> -> memref<1x8x50x8xf32, #tpu.memory_space<vmem>>
        %dma_wait3A_560 = tpu.memref_squeeze %dma_wait3A_559 : memref<1x8x50x8xf32, #tpu.memory_space<vmem>> -> memref<8x50x8xf32, #tpu.memory_space<vmem>>
        tpu.wait_dma2 semaphore(%arg38 : memref<!tpu.dma_semaphore, #tpu.memory_space<semaphore_mem>>) src(%dma_wait3A_560 : memref<8x50x8xf32, #tpu.memory_space<vmem>>) dst(%dma_wait3A_555 : memref<8x50x8xf32, #tpu.memory_space<hbm>>)
      } else {
      }
      %dma_start3A = arith.constant 0 : i32
      %dma_start3A_207 = arith.constant 0 : i32
      %dma_start3A_208 = arith.constant 0 : i32
      %dma_start3A_209 = tpu.memref_slice %arg26[%rem3A_189, %dma_start3A, %dma_start3A_207, %dma_start3A_208] : memref<2x8x56x16xf32, #tpu.memory_space<vmem>> -> memref<1x8x50x16xf32, #tpu.memory_space<vmem>>
      %dma_start3A_210 = tpu.memref_squeeze %dma_start3A_209 : memref<1x8x50x16xf32, #tpu.memory_space<vmem>> -> memref<8x50x16xf32, #tpu.memory_space<vmem>>
      %dma_start3A_211 = arith.constant 0 : i32
      %dma_start3A_212 = arith.constant 0 : i32
      %dma_start3A_213 = tpu.memref_slice %arg14[%add3A_192, %dma_start3A_211, %dma_start3A_212] : memref<4096x50x16xf32, #tpu.memory_space<hbm>> -> memref<8x50x16xf32, #tpu.memory_space<hbm>>
      %dma_start3A_214 = arith.constant 0 : i32
      %dma_start3A_215 = arith.constant 0 : i32
      %dma_start3A_216 = tpu.memref_slice %arg14[%add3A_192, %dma_start3A_214, %dma_start3A_215] : memref<4096x50x16xf32, #tpu.memory_space<hbm>> -> memref<8x50x16xf32, #tpu.memory_space<hbm>>
      %dma_start3A_217 = arith.constant 0 : i32
      %dma_start3A_218 = arith.constant 0 : i32
      %dma_start3A_219 = arith.constant 0 : i32
      %dma_start3A_220 = tpu.memref_slice %arg26[%rem3A_189, %dma_start3A_217, %dma_start3A_218, %dma_start3A_219] : memref<2x8x56x16xf32, #tpu.memory_space<vmem>> -> memref<1x8x50x16xf32, #tpu.memory_space<vmem>>
      %dma_start3A_221 = tpu.memref_squeeze %dma_start3A_220 : memref<1x8x50x16xf32, #tpu.memory_space<vmem>> -> memref<8x50x16xf32, #tpu.memory_space<vmem>>
      tpu.enqueue_dma source(%dma_start3A_221 : memref<8x50x16xf32, #tpu.memory_space<vmem>>) target(%dma_start3A_216 : memref<8x50x16xf32, #tpu.memory_space<hbm>>) target_semaphore(%arg38 : memref<!tpu.dma_semaphore, #tpu.memory_space<semaphore_mem>>)
      %dma_start3A_222 = arith.constant 0 : i32
      %dma_start3A_223 = arith.constant 0 : i32
      %dma_start3A_224 = arith.constant 0 : i32
      %dma_start3A_225 = tpu.memref_slice %arg27[%rem3A_189, %dma_start3A_222, %dma_start3A_223, %dma_start3A_224] : memref<2x8x56x16xf32, #tpu.memory_space<vmem>> -> memref<1x8x50x16xf32, #tpu.memory_space<vmem>>
      %dma_start3A_226 = tpu.memref_squeeze %dma_start3A_225 : memref<1x8x50x16xf32, #tpu.memory_space<vmem>> -> memref<8x50x16xf32, #tpu.memory_space<vmem>>
      %dma_start3A_227 = arith.constant 0 : i32
      %dma_start3A_228 = arith.constant 0 : i32
      %dma_start3A_229 = tpu.memref_slice %arg15[%add3A_192, %dma_start3A_227, %dma_start3A_228] : memref<4096x50x16xf32, #tpu.memory_space<hbm>> -> memref<8x50x16xf32, #tpu.memory_space<hbm>>
      %dma_start3A_230 = arith.constant 0 : i32
      %dma_start3A_231 = arith.constant 0 : i32
      %dma_start3A_232 = tpu.memref_slice %arg15[%add3A_192, %dma_start3A_230, %dma_start3A_231] : memref<4096x50x16xf32, #tpu.memory_space<hbm>> -> memref<8x50x16xf32, #tpu.memory_space<hbm>>
      %dma_start3A_233 = arith.constant 0 : i32
      %dma_start3A_234 = arith.constant 0 : i32
      %dma_start3A_235 = arith.constant 0 : i32
      %dma_start3A_236 = tpu.memref_slice %arg27[%rem3A_189, %dma_start3A_233, %dma_start3A_234, %dma_start3A_235] : memref<2x8x56x16xf32, #tpu.memory_space<vmem>> -> memref<1x8x50x16xf32, #tpu.memory_space<vmem>>
      %dma_start3A_237 = tpu.memref_squeeze %dma_start3A_236 : memref<1x8x50x16xf32, #tpu.memory_space<vmem>> -> memref<8x50x16xf32, #tpu.memory_space<vmem>>
      tpu.enqueue_dma source(%dma_start3A_237 : memref<8x50x16xf32, #tpu.memory_space<vmem>>) target(%dma_start3A_232 : memref<8x50x16xf32, #tpu.memory_space<hbm>>) target_semaphore(%arg38 : memref<!tpu.dma_semaphore, #tpu.memory_space<semaphore_mem>>)
      %dma_start3A_238 = arith.constant 0 : i32
      %dma_start3A_239 = arith.constant 0 : i32
      %dma_start3A_240 = arith.constant 0 : i32
      %dma_start3A_241 = tpu.memref_slice %arg28[%rem3A_189, %dma_start3A_238, %dma_start3A_239, %dma_start3A_240] : memref<2x8x56x16xf32, #tpu.memory_space<vmem>> -> memref<1x8x50x16xf32, #tpu.memory_space<vmem>>
      %dma_start3A_242 = tpu.memref_squeeze %dma_start3A_241 : memref<1x8x50x16xf32, #tpu.memory_space<vmem>> -> memref<8x50x16xf32, #tpu.memory_space<vmem>>
      %dma_start3A_243 = arith.constant 0 : i32
      %dma_start3A_244 = arith.constant 0 : i32
      %dma_start3A_245 = tpu.memref_slice %arg16[%add3A_192, %dma_start3A_243, %dma_start3A_244] : memref<4096x50x16xf32, #tpu.memory_space<hbm>> -> memref<8x50x16xf32, #tpu.memory_space<hbm>>
      %dma_start3A_246 = arith.constant 0 : i32
      %dma_start3A_247 = arith.constant 0 : i32
      %dma_start3A_248 = tpu.memref_slice %arg16[%add3A_192, %dma_start3A_246, %dma_start3A_247] : memref<4096x50x16xf32, #tpu.memory_space<hbm>> -> memref<8x50x16xf32, #tpu.memory_space<hbm>>
      %dma_start3A_249 = arith.constant 0 : i32
      %dma_start3A_250 = arith.constant 0 : i32
      %dma_start3A_251 = arith.constant 0 : i32
      %dma_start3A_252 = tpu.memref_slice %arg28[%rem3A_189, %dma_start3A_249, %dma_start3A_250, %dma_start3A_251] : memref<2x8x56x16xf32, #tpu.memory_space<vmem>> -> memref<1x8x50x16xf32, #tpu.memory_space<vmem>>
      %dma_start3A_253 = tpu.memref_squeeze %dma_start3A_252 : memref<1x8x50x16xf32, #tpu.memory_space<vmem>> -> memref<8x50x16xf32, #tpu.memory_space<vmem>>
      tpu.enqueue_dma source(%dma_start3A_253 : memref<8x50x16xf32, #tpu.memory_space<vmem>>) target(%dma_start3A_248 : memref<8x50x16xf32, #tpu.memory_space<hbm>>) target_semaphore(%arg38 : memref<!tpu.dma_semaphore, #tpu.memory_space<semaphore_mem>>)
      %dma_start3A_254 = arith.constant 0 : i32
      %dma_start3A_255 = arith.constant 0 : i32
      %dma_start3A_256 = arith.constant 0 : i32
      %dma_start3A_257 = tpu.memref_slice %arg29[%rem3A_189, %dma_start3A_254, %dma_start3A_255, %dma_start3A_256] : memref<2x8x56x16xf32, #tpu.memory_space<vmem>> -> memref<1x8x50x16xf32, #tpu.memory_space<vmem>>
      %dma_start3A_258 = tpu.memref_squeeze %dma_start3A_257 : memref<1x8x50x16xf32, #tpu.memory_space<vmem>> -> memref<8x50x16xf32, #tpu.memory_space<vmem>>
      %dma_start3A_259 = arith.constant 0 : i32
      %dma_start3A_260 = arith.constant 0 : i32
      %dma_start3A_261 = tpu.memref_slice %arg17[%add3A_192, %dma_start3A_259, %dma_start3A_260] : memref<4096x50x16xf32, #tpu.memory_space<hbm>> -> memref<8x50x16xf32, #tpu.memory_space<hbm>>
      %dma_start3A_262 = arith.constant 0 : i32
      %dma_start3A_263 = arith.constant 0 : i32
      %dma_start3A_264 = tpu.memref_slice %arg17[%add3A_192, %dma_start3A_262, %dma_start3A_263] : memref<4096x50x16xf32, #tpu.memory_space<hbm>> -> memref<8x50x16xf32, #tpu.memory_space<hbm>>
      %dma_start3A_265 = arith.constant 0 : i32
      %dma_start3A_266 = arith.constant 0 : i32
      %dma_start3A_267 = arith.constant 0 : i32
      %dma_start3A_268 = tpu.memref_slice %arg29[%rem3A_189, %dma_start3A_265, %dma_start3A_266, %dma_start3A_267] : memref<2x8x56x16xf32, #tpu.memory_space<vmem>> -> memref<1x8x50x16xf32, #tpu.memory_space<vmem>>
      %dma_start3A_269 = tpu.memref_squeeze %dma_start3A_268 : memref<1x8x50x16xf32, #tpu.memory_space<vmem>> -> memref<8x50x16xf32, #tpu.memory_space<vmem>>
      tpu.enqueue_dma source(%dma_start3A_269 : memref<8x50x16xf32, #tpu.memory_space<vmem>>) target(%dma_start3A_264 : memref<8x50x16xf32, #tpu.memory_space<hbm>>) target_semaphore(%arg38 : memref<!tpu.dma_semaphore, #tpu.memory_space<semaphore_mem>>)
      %dma_start3A_270 = arith.constant 0 : i32
      %dma_start3A_271 = arith.constant 0 : i32
      %dma_start3A_272 = arith.constant 0 : i32
      %dma_start3A_273 = tpu.memref_slice %arg30[%rem3A_189, %dma_start3A_270, %dma_start3A_271, %dma_start3A_272] : memref<2x8x56x16xf32, #tpu.memory_space<vmem>> -> memref<1x8x50x16xf32, #tpu.memory_space<vmem>>
      %dma_start3A_274 = tpu.memref_squeeze %dma_start3A_273 : memref<1x8x50x16xf32, #tpu.memory_space<vmem>> -> memref<8x50x16xf32, #tpu.memory_space<vmem>>
      %dma_start3A_275 = arith.constant 0 : i32
      %dma_start3A_276 = arith.constant 0 : i32
      %dma_start3A_277 = tpu.memref_slice %arg18[%add3A_192, %dma_start3A_275, %dma_start3A_276] : memref<4096x50x16xf32, #tpu.memory_space<hbm>> -> memref<8x50x16xf32, #tpu.memory_space<hbm>>
      %dma_start3A_278 = arith.constant 0 : i32
      %dma_start3A_279 = arith.constant 0 : i32
      %dma_start3A_280 = tpu.memref_slice %arg18[%add3A_192, %dma_start3A_278, %dma_start3A_279] : memref<4096x50x16xf32, #tpu.memory_space<hbm>> -> memref<8x50x16xf32, #tpu.memory_space<hbm>>
      %dma_start3A_281 = arith.constant 0 : i32
      %dma_start3A_282 = arith.constant 0 : i32
      %dma_start3A_283 = arith.constant 0 : i32
      %dma_start3A_284 = tpu.memref_slice %arg30[%rem3A_189, %dma_start3A_281, %dma_start3A_282, %dma_start3A_283] : memref<2x8x56x16xf32, #tpu.memory_space<vmem>> -> memref<1x8x50x16xf32, #tpu.memory_space<vmem>>
      %dma_start3A_285 = tpu.memref_squeeze %dma_start3A_284 : memref<1x8x50x16xf32, #tpu.memory_space<vmem>> -> memref<8x50x16xf32, #tpu.memory_space<vmem>>
      tpu.enqueue_dma source(%dma_start3A_285 : memref<8x50x16xf32, #tpu.memory_space<vmem>>) target(%dma_start3A_280 : memref<8x50x16xf32, #tpu.memory_space<hbm>>) target_semaphore(%arg38 : memref<!tpu.dma_semaphore, #tpu.memory_space<semaphore_mem>>)
      %dma_start3A_286 = arith.constant 0 : i32
      %dma_start3A_287 = arith.constant 0 : i32
      %dma_start3A_288 = arith.constant 0 : i32
      %dma_start3A_289 = tpu.memref_slice %arg31[%rem3A_189, %dma_start3A_286, %dma_start3A_287, %dma_start3A_288] : memref<2x8x56x8xf32, #tpu.memory_space<vmem>> -> memref<1x8x50x8xf32, #tpu.memory_space<vmem>>
      %dma_start3A_290 = tpu.memref_squeeze %dma_start3A_289 : memref<1x8x50x8xf32, #tpu.memory_space<vmem>> -> memref<8x50x8xf32, #tpu.memory_space<vmem>>
      %dma_start3A_291 = arith.constant 0 : i32
      %dma_start3A_292 = arith.constant 0 : i32
      %dma_start3A_293 = tpu.memref_slice %arg19[%add3A_192, %dma_start3A_291, %dma_start3A_292] : memref<4096x50x8xf32, #tpu.memory_space<hbm>> -> memref<8x50x8xf32, #tpu.memory_space<hbm>>
      %dma_start3A_294 = arith.constant 0 : i32
      %dma_start3A_295 = arith.constant 0 : i32
      %dma_start3A_296 = tpu.memref_slice %arg19[%add3A_192, %dma_start3A_294, %dma_start3A_295] : memref<4096x50x8xf32, #tpu.memory_space<hbm>> -> memref<8x50x8xf32, #tpu.memory_space<hbm>>
      %dma_start3A_297 = arith.constant 0 : i32
      %dma_start3A_298 = arith.constant 0 : i32
      %dma_start3A_299 = arith.constant 0 : i32
      %dma_start3A_300 = tpu.memref_slice %arg31[%rem3A_189, %dma_start3A_297, %dma_start3A_298, %dma_start3A_299] : memref<2x8x56x8xf32, #tpu.memory_space<vmem>> -> memref<1x8x50x8xf32, #tpu.memory_space<vmem>>
      %dma_start3A_301 = tpu.memref_squeeze %dma_start3A_300 : memref<1x8x50x8xf32, #tpu.memory_space<vmem>> -> memref<8x50x8xf32, #tpu.memory_space<vmem>>
      tpu.enqueue_dma source(%dma_start3A_301 : memref<8x50x8xf32, #tpu.memory_space<vmem>>) target(%dma_start3A_296 : memref<8x50x8xf32, #tpu.memory_space<hbm>>) target_semaphore(%arg38 : memref<!tpu.dma_semaphore, #tpu.memory_space<semaphore_mem>>)
      %dma_start3A_302 = arith.constant 0 : i32
      %dma_start3A_303 = arith.constant 0 : i32
      %dma_start3A_304 = arith.constant 0 : i32
      %dma_start3A_305 = tpu.memref_slice %arg32[%rem3A_189, %dma_start3A_302, %dma_start3A_303, %dma_start3A_304] : memref<2x8x56x8xf32, #tpu.memory_space<vmem>> -> memref<1x8x50x8xf32, #tpu.memory_space<vmem>>
      %dma_start3A_306 = tpu.memref_squeeze %dma_start3A_305 : memref<1x8x50x8xf32, #tpu.memory_space<vmem>> -> memref<8x50x8xf32, #tpu.memory_space<vmem>>
      %dma_start3A_307 = arith.constant 0 : i32
      %dma_start3A_308 = arith.constant 0 : i32
      %dma_start3A_309 = tpu.memref_slice %arg20[%add3A_192, %dma_start3A_307, %dma_start3A_308] : memref<4096x50x8xf32, #tpu.memory_space<hbm>> -> memref<8x50x8xf32, #tpu.memory_space<hbm>>
      %dma_start3A_310 = arith.constant 0 : i32
      %dma_start3A_311 = arith.constant 0 : i32
      %dma_start3A_312 = tpu.memref_slice %arg20[%add3A_192, %dma_start3A_310, %dma_start3A_311] : memref<4096x50x8xf32, #tpu.memory_space<hbm>> -> memref<8x50x8xf32, #tpu.memory_space<hbm>>
      %dma_start3A_313 = arith.constant 0 : i32
      %dma_start3A_314 = arith.constant 0 : i32
      %dma_start3A_315 = arith.constant 0 : i32
      %dma_start3A_316 = tpu.memref_slice %arg32[%rem3A_189, %dma_start3A_313, %dma_start3A_314, %dma_start3A_315] : memref<2x8x56x8xf32, #tpu.memory_space<vmem>> -> memref<1x8x50x8xf32, #tpu.memory_space<vmem>>
      %dma_start3A_317 = tpu.memref_squeeze %dma_start3A_316 : memref<1x8x50x8xf32, #tpu.memory_space<vmem>> -> memref<8x50x8xf32, #tpu.memory_space<vmem>>
      tpu.enqueue_dma source(%dma_start3A_317 : memref<8x50x8xf32, #tpu.memory_space<vmem>>) target(%dma_start3A_312 : memref<8x50x8xf32, #tpu.memory_space<hbm>>) target_semaphore(%arg38 : memref<!tpu.dma_semaphore, #tpu.memory_space<semaphore_mem>>)
      %dma_start3A_318 = arith.constant 0 : i32
      %dma_start3A_319 = arith.constant 0 : i32
      %dma_start3A_320 = arith.constant 0 : i32
      %dma_start3A_321 = tpu.memref_slice %arg33[%rem3A_189, %dma_start3A_318, %dma_start3A_319, %dma_start3A_320] : memref<2x8x56x8xf32, #tpu.memory_space<vmem>> -> memref<1x8x50x8xf32, #tpu.memory_space<vmem>>
      %dma_start3A_322 = tpu.memref_squeeze %dma_start3A_321 : memref<1x8x50x8xf32, #tpu.memory_space<vmem>> -> memref<8x50x8xf32, #tpu.memory_space<vmem>>
      %dma_start3A_323 = arith.constant 0 : i32
      %dma_start3A_324 = arith.constant 0 : i32
      %dma_start3A_325 = tpu.memref_slice %arg21[%add3A_192, %dma_start3A_323, %dma_start3A_324] : memref<4096x50x8xf32, #tpu.memory_space<hbm>> -> memref<8x50x8xf32, #tpu.memory_space<hbm>>
      %dma_start3A_326 = arith.constant 0 : i32
      %dma_start3A_327 = arith.constant 0 : i32
      %dma_start3A_328 = tpu.memref_slice %arg21[%add3A_192, %dma_start3A_326, %dma_start3A_327] : memref<4096x50x8xf32, #tpu.memory_space<hbm>> -> memref<8x50x8xf32, #tpu.memory_space<hbm>>
      %dma_start3A_329 = arith.constant 0 : i32
      %dma_start3A_330 = arith.constant 0 : i32
      %dma_start3A_331 = arith.constant 0 : i32
      %dma_start3A_332 = tpu.memref_slice %arg33[%rem3A_189, %dma_start3A_329, %dma_start3A_330, %dma_start3A_331] : memref<2x8x56x8xf32, #tpu.memory_space<vmem>> -> memref<1x8x50x8xf32, #tpu.memory_space<vmem>>
      %dma_start3A_333 = tpu.memref_squeeze %dma_start3A_332 : memref<1x8x50x8xf32, #tpu.memory_space<vmem>> -> memref<8x50x8xf32, #tpu.memory_space<vmem>>
      tpu.enqueue_dma source(%dma_start3A_333 : memref<8x50x8xf32, #tpu.memory_space<vmem>>) target(%dma_start3A_328 : memref<8x50x8xf32, #tpu.memory_space<hbm>>) target_semaphore(%arg38 : memref<!tpu.dma_semaphore, #tpu.memory_space<semaphore_mem>>)
      %dma_start3A_334 = arith.constant 0 : i32
      %dma_start3A_335 = arith.constant 0 : i32
      %dma_start3A_336 = arith.constant 0 : i32
      %dma_start3A_337 = tpu.memref_slice %arg34[%rem3A_189, %dma_start3A_334, %dma_start3A_335, %dma_start3A_336] : memref<2x8x56x8xf32, #tpu.memory_space<vmem>> -> memref<1x8x50x8xf32, #tpu.memory_space<vmem>>
      %dma_start3A_338 = tpu.memref_squeeze %dma_start3A_337 : memref<1x8x50x8xf32, #tpu.memory_space<vmem>> -> memref<8x50x8xf32, #tpu.memory_space<vmem>>
      %dma_start3A_339 = arith.constant 0 : i32
      %dma_start3A_340 = arith.constant 0 : i32
      %dma_start3A_341 = tpu.memref_slice %arg22[%add3A_192, %dma_start3A_339, %dma_start3A_340] : memref<4096x50x8xf32, #tpu.memory_space<hbm>> -> memref<8x50x8xf32, #tpu.memory_space<hbm>>
      %dma_start3A_342 = arith.constant 0 : i32
      %dma_start3A_343 = arith.constant 0 : i32
      %dma_start3A_344 = tpu.memref_slice %arg22[%add3A_192, %dma_start3A_342, %dma_start3A_343] : memref<4096x50x8xf32, #tpu.memory_space<hbm>> -> memref<8x50x8xf32, #tpu.memory_space<hbm>>
      %dma_start3A_345 = arith.constant 0 : i32
      %dma_start3A_346 = arith.constant 0 : i32
      %dma_start3A_347 = arith.constant 0 : i32
      %dma_start3A_348 = tpu.memref_slice %arg34[%rem3A_189, %dma_start3A_345, %dma_start3A_346, %dma_start3A_347] : memref<2x8x56x8xf32, #tpu.memory_space<vmem>> -> memref<1x8x50x8xf32, #tpu.memory_space<vmem>>
      %dma_start3A_349 = tpu.memref_squeeze %dma_start3A_348 : memref<1x8x50x8xf32, #tpu.memory_space<vmem>> -> memref<8x50x8xf32, #tpu.memory_space<vmem>>
      tpu.enqueue_dma source(%dma_start3A_349 : memref<8x50x8xf32, #tpu.memory_space<vmem>>) target(%dma_start3A_344 : memref<8x50x8xf32, #tpu.memory_space<hbm>>) target_semaphore(%arg38 : memref<!tpu.dma_semaphore, #tpu.memory_space<semaphore_mem>>)
      %dma_start3A_350 = arith.constant 0 : i32
      %dma_start3A_351 = arith.constant 0 : i32
      %dma_start3A_352 = arith.constant 0 : i32
      %dma_start3A_353 = tpu.memref_slice %arg35[%rem3A_189, %dma_start3A_350, %dma_start3A_351, %dma_start3A_352] : memref<2x8x56x8xf32, #tpu.memory_space<vmem>> -> memref<1x8x50x8xf32, #tpu.memory_space<vmem>>
      %dma_start3A_354 = tpu.memref_squeeze %dma_start3A_353 : memref<1x8x50x8xf32, #tpu.memory_space<vmem>> -> memref<8x50x8xf32, #tpu.memory_space<vmem>>
      %dma_start3A_355 = arith.constant 0 : i32
      %dma_start3A_356 = arith.constant 0 : i32
      %dma_start3A_357 = tpu.memref_slice %arg23[%add3A_192, %dma_start3A_355, %dma_start3A_356] : memref<4096x50x8xf32, #tpu.memory_space<hbm>> -> memref<8x50x8xf32, #tpu.memory_space<hbm>>
      %dma_start3A_358 = arith.constant 0 : i32
      %dma_start3A_359 = arith.constant 0 : i32
      %dma_start3A_360 = tpu.memref_slice %arg23[%add3A_192, %dma_start3A_358, %dma_start3A_359] : memref<4096x50x8xf32, #tpu.memory_space<hbm>> -> memref<8x50x8xf32, #tpu.memory_space<hbm>>
      %dma_start3A_361 = arith.constant 0 : i32
      %dma_start3A_362 = arith.constant 0 : i32
      %dma_start3A_363 = arith.constant 0 : i32
      %dma_start3A_364 = tpu.memref_slice %arg35[%rem3A_189, %dma_start3A_361, %dma_start3A_362, %dma_start3A_363] : memref<2x8x56x8xf32, #tpu.memory_space<vmem>> -> memref<1x8x50x8xf32, #tpu.memory_space<vmem>>
      %dma_start3A_365 = tpu.memref_squeeze %dma_start3A_364 : memref<1x8x50x8xf32, #tpu.memory_space<vmem>> -> memref<8x50x8xf32, #tpu.memory_space<vmem>>
      tpu.enqueue_dma source(%dma_start3A_365 : memref<8x50x8xf32, #tpu.memory_space<vmem>>) target(%dma_start3A_360 : memref<8x50x8xf32, #tpu.memory_space<hbm>>) target_semaphore(%arg38 : memref<!tpu.dma_semaphore, #tpu.memory_space<semaphore_mem>>)
      %dma_start3A_366 = arith.constant 0 : i32
      %dma_start3A_367 = arith.constant 0 : i32
      %dma_start3A_368 = arith.constant 0 : i32
      %dma_start3A_369 = tpu.memref_slice %arg36[%rem3A_189, %dma_start3A_366, %dma_start3A_367, %dma_start3A_368] : memref<2x8x56x8xf32, #tpu.memory_space<vmem>> -> memref<1x8x50x8xf32, #tpu.memory_space<vmem>>
      %dma_start3A_370 = tpu.memref_squeeze %dma_start3A_369 : memref<1x8x50x8xf32, #tpu.memory_space<vmem>> -> memref<8x50x8xf32, #tpu.memory_space<vmem>>
      %dma_start3A_371 = arith.constant 0 : i32
      %dma_start3A_372 = arith.constant 0 : i32
      %dma_start3A_373 = tpu.memref_slice %arg24[%add3A_192, %dma_start3A_371, %dma_start3A_372] : memref<4096x50x8xf32, #tpu.memory_space<hbm>> -> memref<8x50x8xf32, #tpu.memory_space<hbm>>
      %dma_start3A_374 = arith.constant 0 : i32
      %dma_start3A_375 = arith.constant 0 : i32
      %dma_start3A_376 = tpu.memref_slice %arg24[%add3A_192, %dma_start3A_374, %dma_start3A_375] : memref<4096x50x8xf32, #tpu.memory_space<hbm>> -> memref<8x50x8xf32, #tpu.memory_space<hbm>>
      %dma_start3A_377 = arith.constant 0 : i32
      %dma_start3A_378 = arith.constant 0 : i32
      %dma_start3A_379 = arith.constant 0 : i32
      %dma_start3A_380 = tpu.memref_slice %arg36[%rem3A_189, %dma_start3A_377, %dma_start3A_378, %dma_start3A_379] : memref<2x8x56x8xf32, #tpu.memory_space<vmem>> -> memref<1x8x50x8xf32, #tpu.memory_space<vmem>>
      %dma_start3A_381 = tpu.memref_squeeze %dma_start3A_380 : memref<1x8x50x8xf32, #tpu.memory_space<vmem>> -> memref<8x50x8xf32, #tpu.memory_space<vmem>>
      tpu.enqueue_dma source(%dma_start3A_381 : memref<8x50x8xf32, #tpu.memory_space<vmem>>) target(%dma_start3A_376 : memref<8x50x8xf32, #tpu.memory_space<hbm>>) target_semaphore(%arg38 : memref<!tpu.dma_semaphore, #tpu.memory_space<semaphore_mem>>)
    }
    %scan3A_7 = arith.constant 16 : i32
    %rem3A = arith.constant 15 : i32
    %rem3A_8 = arith.constant 2 : i32
    %rem3A_9 = arith.remsi %rem3A, %rem3A_8 : i32
    %add3A_10 = arith.constant 120 : i32
    %add3A_11 = arith.addi %mul3A_2, %add3A_10 : i32
    %dma_wait3A = arith.constant 0 : i32
    %dma_wait3A_12 = arith.constant 0 : i32
    %dma_wait3A_13 = arith.constant 0 : i32
    %dma_wait3A_14 = tpu.memref_slice %arg26[%rem3A_9, %dma_wait3A, %dma_wait3A_12, %dma_wait3A_13] : memref<2x8x56x16xf32, #tpu.memory_space<vmem>> -> memref<1x8x50x16xf32, #tpu.memory_space<vmem>>
    %dma_wait3A_15 = tpu.memref_squeeze %dma_wait3A_14 : memref<1x8x50x16xf32, #tpu.memory_space<vmem>> -> memref<8x50x16xf32, #tpu.memory_space<vmem>>
    %dma_wait3A_16 = arith.constant 0 : i32
    %dma_wait3A_17 = arith.constant 0 : i32
    %dma_wait3A_18 = tpu.memref_slice %arg14[%add3A_11, %dma_wait3A_16, %dma_wait3A_17] : memref<4096x50x16xf32, #tpu.memory_space<hbm>> -> memref<8x50x16xf32, #tpu.memory_space<hbm>>
    %dma_wait3A_19 = arith.constant 0 : i32
    %dma_wait3A_20 = arith.constant 0 : i32
    %dma_wait3A_21 = tpu.memref_slice %arg14[%add3A_11, %dma_wait3A_19, %dma_wait3A_20] : memref<4096x50x16xf32, #tpu.memory_space<hbm>> -> memref<8x50x16xf32, #tpu.memory_space<hbm>>
    %dma_wait3A_22 = arith.constant 0 : i32
    %dma_wait3A_23 = arith.constant 0 : i32
    %dma_wait3A_24 = arith.constant 0 : i32
    %dma_wait3A_25 = tpu.memref_slice %arg26[%rem3A_9, %dma_wait3A_22, %dma_wait3A_23, %dma_wait3A_24] : memref<2x8x56x16xf32, #tpu.memory_space<vmem>> -> memref<1x8x50x16xf32, #tpu.memory_space<vmem>>
    %dma_wait3A_26 = tpu.memref_squeeze %dma_wait3A_25 : memref<1x8x50x16xf32, #tpu.memory_space<vmem>> -> memref<8x50x16xf32, #tpu.memory_space<vmem>>
    tpu.wait_dma2 semaphore(%arg38 : memref<!tpu.dma_semaphore, #tpu.memory_space<semaphore_mem>>) src(%dma_wait3A_26 : memref<8x50x16xf32, #tpu.memory_space<vmem>>) dst(%dma_wait3A_21 : memref<8x50x16xf32, #tpu.memory_space<hbm>>)
    %dma_wait3A_27 = arith.constant 0 : i32
    %dma_wait3A_28 = arith.constant 0 : i32
    %dma_wait3A_29 = arith.constant 0 : i32
    %dma_wait3A_30 = tpu.memref_slice %arg27[%rem3A_9, %dma_wait3A_27, %dma_wait3A_28, %dma_wait3A_29] : memref<2x8x56x16xf32, #tpu.memory_space<vmem>> -> memref<1x8x50x16xf32, #tpu.memory_space<vmem>>
    %dma_wait3A_31 = tpu.memref_squeeze %dma_wait3A_30 : memref<1x8x50x16xf32, #tpu.memory_space<vmem>> -> memref<8x50x16xf32, #tpu.memory_space<vmem>>
    %dma_wait3A_32 = arith.constant 0 : i32
    %dma_wait3A_33 = arith.constant 0 : i32
    %dma_wait3A_34 = tpu.memref_slice %arg15[%add3A_11, %dma_wait3A_32, %dma_wait3A_33] : memref<4096x50x16xf32, #tpu.memory_space<hbm>> -> memref<8x50x16xf32, #tpu.memory_space<hbm>>
    %dma_wait3A_35 = arith.constant 0 : i32
    %dma_wait3A_36 = arith.constant 0 : i32
    %dma_wait3A_37 = tpu.memref_slice %arg15[%add3A_11, %dma_wait3A_35, %dma_wait3A_36] : memref<4096x50x16xf32, #tpu.memory_space<hbm>> -> memref<8x50x16xf32, #tpu.memory_space<hbm>>
    %dma_wait3A_38 = arith.constant 0 : i32
    %dma_wait3A_39 = arith.constant 0 : i32
    %dma_wait3A_40 = arith.constant 0 : i32
    %dma_wait3A_41 = tpu.memref_slice %arg27[%rem3A_9, %dma_wait3A_38, %dma_wait3A_39, %dma_wait3A_40] : memref<2x8x56x16xf32, #tpu.memory_space<vmem>> -> memref<1x8x50x16xf32, #tpu.memory_space<vmem>>
    %dma_wait3A_42 = tpu.memref_squeeze %dma_wait3A_41 : memref<1x8x50x16xf32, #tpu.memory_space<vmem>> -> memref<8x50x16xf32, #tpu.memory_space<vmem>>
    tpu.wait_dma2 semaphore(%arg38 : memref<!tpu.dma_semaphore, #tpu.memory_space<semaphore_mem>>) src(%dma_wait3A_42 : memref<8x50x16xf32, #tpu.memory_space<vmem>>) dst(%dma_wait3A_37 : memref<8x50x16xf32, #tpu.memory_space<hbm>>)
    %dma_wait3A_43 = arith.constant 0 : i32
    %dma_wait3A_44 = arith.constant 0 : i32
    %dma_wait3A_45 = arith.constant 0 : i32
    %dma_wait3A_46 = tpu.memref_slice %arg28[%rem3A_9, %dma_wait3A_43, %dma_wait3A_44, %dma_wait3A_45] : memref<2x8x56x16xf32, #tpu.memory_space<vmem>> -> memref<1x8x50x16xf32, #tpu.memory_space<vmem>>
    %dma_wait3A_47 = tpu.memref_squeeze %dma_wait3A_46 : memref<1x8x50x16xf32, #tpu.memory_space<vmem>> -> memref<8x50x16xf32, #tpu.memory_space<vmem>>
    %dma_wait3A_48 = arith.constant 0 : i32
    %dma_wait3A_49 = arith.constant 0 : i32
    %dma_wait3A_50 = tpu.memref_slice %arg16[%add3A_11, %dma_wait3A_48, %dma_wait3A_49] : memref<4096x50x16xf32, #tpu.memory_space<hbm>> -> memref<8x50x16xf32, #tpu.memory_space<hbm>>
    %dma_wait3A_51 = arith.constant 0 : i32
    %dma_wait3A_52 = arith.constant 0 : i32
    %dma_wait3A_53 = tpu.memref_slice %arg16[%add3A_11, %dma_wait3A_51, %dma_wait3A_52] : memref<4096x50x16xf32, #tpu.memory_space<hbm>> -> memref<8x50x16xf32, #tpu.memory_space<hbm>>
    %dma_wait3A_54 = arith.constant 0 : i32
    %dma_wait3A_55 = arith.constant 0 : i32
    %dma_wait3A_56 = arith.constant 0 : i32
    %dma_wait3A_57 = tpu.memref_slice %arg28[%rem3A_9, %dma_wait3A_54, %dma_wait3A_55, %dma_wait3A_56] : memref<2x8x56x16xf32, #tpu.memory_space<vmem>> -> memref<1x8x50x16xf32, #tpu.memory_space<vmem>>
    %dma_wait3A_58 = tpu.memref_squeeze %dma_wait3A_57 : memref<1x8x50x16xf32, #tpu.memory_space<vmem>> -> memref<8x50x16xf32, #tpu.memory_space<vmem>>
    tpu.wait_dma2 semaphore(%arg38 : memref<!tpu.dma_semaphore, #tpu.memory_space<semaphore_mem>>) src(%dma_wait3A_58 : memref<8x50x16xf32, #tpu.memory_space<vmem>>) dst(%dma_wait3A_53 : memref<8x50x16xf32, #tpu.memory_space<hbm>>)
    %dma_wait3A_59 = arith.constant 0 : i32
    %dma_wait3A_60 = arith.constant 0 : i32
    %dma_wait3A_61 = arith.constant 0 : i32
    %dma_wait3A_62 = tpu.memref_slice %arg29[%rem3A_9, %dma_wait3A_59, %dma_wait3A_60, %dma_wait3A_61] : memref<2x8x56x16xf32, #tpu.memory_space<vmem>> -> memref<1x8x50x16xf32, #tpu.memory_space<vmem>>
    %dma_wait3A_63 = tpu.memref_squeeze %dma_wait3A_62 : memref<1x8x50x16xf32, #tpu.memory_space<vmem>> -> memref<8x50x16xf32, #tpu.memory_space<vmem>>
    %dma_wait3A_64 = arith.constant 0 : i32
    %dma_wait3A_65 = arith.constant 0 : i32
    %dma_wait3A_66 = tpu.memref_slice %arg17[%add3A_11, %dma_wait3A_64, %dma_wait3A_65] : memref<4096x50x16xf32, #tpu.memory_space<hbm>> -> memref<8x50x16xf32, #tpu.memory_space<hbm>>
    %dma_wait3A_67 = arith.constant 0 : i32
    %dma_wait3A_68 = arith.constant 0 : i32
    %dma_wait3A_69 = tpu.memref_slice %arg17[%add3A_11, %dma_wait3A_67, %dma_wait3A_68] : memref<4096x50x16xf32, #tpu.memory_space<hbm>> -> memref<8x50x16xf32, #tpu.memory_space<hbm>>
    %dma_wait3A_70 = arith.constant 0 : i32
    %dma_wait3A_71 = arith.constant 0 : i32
    %dma_wait3A_72 = arith.constant 0 : i32
    %dma_wait3A_73 = tpu.memref_slice %arg29[%rem3A_9, %dma_wait3A_70, %dma_wait3A_71, %dma_wait3A_72] : memref<2x8x56x16xf32, #tpu.memory_space<vmem>> -> memref<1x8x50x16xf32, #tpu.memory_space<vmem>>
    %dma_wait3A_74 = tpu.memref_squeeze %dma_wait3A_73 : memref<1x8x50x16xf32, #tpu.memory_space<vmem>> -> memref<8x50x16xf32, #tpu.memory_space<vmem>>
    tpu.wait_dma2 semaphore(%arg38 : memref<!tpu.dma_semaphore, #tpu.memory_space<semaphore_mem>>) src(%dma_wait3A_74 : memref<8x50x16xf32, #tpu.memory_space<vmem>>) dst(%dma_wait3A_69 : memref<8x50x16xf32, #tpu.memory_space<hbm>>)
    %dma_wait3A_75 = arith.constant 0 : i32
    %dma_wait3A_76 = arith.constant 0 : i32
    %dma_wait3A_77 = arith.constant 0 : i32
    %dma_wait3A_78 = tpu.memref_slice %arg30[%rem3A_9, %dma_wait3A_75, %dma_wait3A_76, %dma_wait3A_77] : memref<2x8x56x16xf32, #tpu.memory_space<vmem>> -> memref<1x8x50x16xf32, #tpu.memory_space<vmem>>
    %dma_wait3A_79 = tpu.memref_squeeze %dma_wait3A_78 : memref<1x8x50x16xf32, #tpu.memory_space<vmem>> -> memref<8x50x16xf32, #tpu.memory_space<vmem>>
    %dma_wait3A_80 = arith.constant 0 : i32
    %dma_wait3A_81 = arith.constant 0 : i32
    %dma_wait3A_82 = tpu.memref_slice %arg18[%add3A_11, %dma_wait3A_80, %dma_wait3A_81] : memref<4096x50x16xf32, #tpu.memory_space<hbm>> -> memref<8x50x16xf32, #tpu.memory_space<hbm>>
    %dma_wait3A_83 = arith.constant 0 : i32
    %dma_wait3A_84 = arith.constant 0 : i32
    %dma_wait3A_85 = tpu.memref_slice %arg18[%add3A_11, %dma_wait3A_83, %dma_wait3A_84] : memref<4096x50x16xf32, #tpu.memory_space<hbm>> -> memref<8x50x16xf32, #tpu.memory_space<hbm>>
    %dma_wait3A_86 = arith.constant 0 : i32
    %dma_wait3A_87 = arith.constant 0 : i32
    %dma_wait3A_88 = arith.constant 0 : i32
    %dma_wait3A_89 = tpu.memref_slice %arg30[%rem3A_9, %dma_wait3A_86, %dma_wait3A_87, %dma_wait3A_88] : memref<2x8x56x16xf32, #tpu.memory_space<vmem>> -> memref<1x8x50x16xf32, #tpu.memory_space<vmem>>
    %dma_wait3A_90 = tpu.memref_squeeze %dma_wait3A_89 : memref<1x8x50x16xf32, #tpu.memory_space<vmem>> -> memref<8x50x16xf32, #tpu.memory_space<vmem>>
    tpu.wait_dma2 semaphore(%arg38 : memref<!tpu.dma_semaphore, #tpu.memory_space<semaphore_mem>>) src(%dma_wait3A_90 : memref<8x50x16xf32, #tpu.memory_space<vmem>>) dst(%dma_wait3A_85 : memref<8x50x16xf32, #tpu.memory_space<hbm>>)
    %dma_wait3A_91 = arith.constant 0 : i32
    %dma_wait3A_92 = arith.constant 0 : i32
    %dma_wait3A_93 = arith.constant 0 : i32
    %dma_wait3A_94 = tpu.memref_slice %arg31[%rem3A_9, %dma_wait3A_91, %dma_wait3A_92, %dma_wait3A_93] : memref<2x8x56x8xf32, #tpu.memory_space<vmem>> -> memref<1x8x50x8xf32, #tpu.memory_space<vmem>>
    %dma_wait3A_95 = tpu.memref_squeeze %dma_wait3A_94 : memref<1x8x50x8xf32, #tpu.memory_space<vmem>> -> memref<8x50x8xf32, #tpu.memory_space<vmem>>
    %dma_wait3A_96 = arith.constant 0 : i32
    %dma_wait3A_97 = arith.constant 0 : i32
    %dma_wait3A_98 = tpu.memref_slice %arg19[%add3A_11, %dma_wait3A_96, %dma_wait3A_97] : memref<4096x50x8xf32, #tpu.memory_space<hbm>> -> memref<8x50x8xf32, #tpu.memory_space<hbm>>
    %dma_wait3A_99 = arith.constant 0 : i32
    %dma_wait3A_100 = arith.constant 0 : i32
    %dma_wait3A_101 = tpu.memref_slice %arg19[%add3A_11, %dma_wait3A_99, %dma_wait3A_100] : memref<4096x50x8xf32, #tpu.memory_space<hbm>> -> memref<8x50x8xf32, #tpu.memory_space<hbm>>
    %dma_wait3A_102 = arith.constant 0 : i32
    %dma_wait3A_103 = arith.constant 0 : i32
    %dma_wait3A_104 = arith.constant 0 : i32
    %dma_wait3A_105 = tpu.memref_slice %arg31[%rem3A_9, %dma_wait3A_102, %dma_wait3A_103, %dma_wait3A_104] : memref<2x8x56x8xf32, #tpu.memory_space<vmem>> -> memref<1x8x50x8xf32, #tpu.memory_space<vmem>>
    %dma_wait3A_106 = tpu.memref_squeeze %dma_wait3A_105 : memref<1x8x50x8xf32, #tpu.memory_space<vmem>> -> memref<8x50x8xf32, #tpu.memory_space<vmem>>
    tpu.wait_dma2 semaphore(%arg38 : memref<!tpu.dma_semaphore, #tpu.memory_space<semaphore_mem>>) src(%dma_wait3A_106 : memref<8x50x8xf32, #tpu.memory_space<vmem>>) dst(%dma_wait3A_101 : memref<8x50x8xf32, #tpu.memory_space<hbm>>)
    %dma_wait3A_107 = arith.constant 0 : i32
    %dma_wait3A_108 = arith.constant 0 : i32
    %dma_wait3A_109 = arith.constant 0 : i32
    %dma_wait3A_110 = tpu.memref_slice %arg32[%rem3A_9, %dma_wait3A_107, %dma_wait3A_108, %dma_wait3A_109] : memref<2x8x56x8xf32, #tpu.memory_space<vmem>> -> memref<1x8x50x8xf32, #tpu.memory_space<vmem>>
    %dma_wait3A_111 = tpu.memref_squeeze %dma_wait3A_110 : memref<1x8x50x8xf32, #tpu.memory_space<vmem>> -> memref<8x50x8xf32, #tpu.memory_space<vmem>>
    %dma_wait3A_112 = arith.constant 0 : i32
    %dma_wait3A_113 = arith.constant 0 : i32
    %dma_wait3A_114 = tpu.memref_slice %arg20[%add3A_11, %dma_wait3A_112, %dma_wait3A_113] : memref<4096x50x8xf32, #tpu.memory_space<hbm>> -> memref<8x50x8xf32, #tpu.memory_space<hbm>>
    %dma_wait3A_115 = arith.constant 0 : i32
    %dma_wait3A_116 = arith.constant 0 : i32
    %dma_wait3A_117 = tpu.memref_slice %arg20[%add3A_11, %dma_wait3A_115, %dma_wait3A_116] : memref<4096x50x8xf32, #tpu.memory_space<hbm>> -> memref<8x50x8xf32, #tpu.memory_space<hbm>>
    %dma_wait3A_118 = arith.constant 0 : i32
    %dma_wait3A_119 = arith.constant 0 : i32
    %dma_wait3A_120 = arith.constant 0 : i32
    %dma_wait3A_121 = tpu.memref_slice %arg32[%rem3A_9, %dma_wait3A_118, %dma_wait3A_119, %dma_wait3A_120] : memref<2x8x56x8xf32, #tpu.memory_space<vmem>> -> memref<1x8x50x8xf32, #tpu.memory_space<vmem>>
    %dma_wait3A_122 = tpu.memref_squeeze %dma_wait3A_121 : memref<1x8x50x8xf32, #tpu.memory_space<vmem>> -> memref<8x50x8xf32, #tpu.memory_space<vmem>>
    tpu.wait_dma2 semaphore(%arg38 : memref<!tpu.dma_semaphore, #tpu.memory_space<semaphore_mem>>) src(%dma_wait3A_122 : memref<8x50x8xf32, #tpu.memory_space<vmem>>) dst(%dma_wait3A_117 : memref<8x50x8xf32, #tpu.memory_space<hbm>>)
    %dma_wait3A_123 = arith.constant 0 : i32
    %dma_wait3A_124 = arith.constant 0 : i32
    %dma_wait3A_125 = arith.constant 0 : i32
    %dma_wait3A_126 = tpu.memref_slice %arg33[%rem3A_9, %dma_wait3A_123, %dma_wait3A_124, %dma_wait3A_125] : memref<2x8x56x8xf32, #tpu.memory_space<vmem>> -> memref<1x8x50x8xf32, #tpu.memory_space<vmem>>
    %dma_wait3A_127 = tpu.memref_squeeze %dma_wait3A_126 : memref<1x8x50x8xf32, #tpu.memory_space<vmem>> -> memref<8x50x8xf32, #tpu.memory_space<vmem>>
    %dma_wait3A_128 = arith.constant 0 : i32
    %dma_wait3A_129 = arith.constant 0 : i32
    %dma_wait3A_130 = tpu.memref_slice %arg21[%add3A_11, %dma_wait3A_128, %dma_wait3A_129] : memref<4096x50x8xf32, #tpu.memory_space<hbm>> -> memref<8x50x8xf32, #tpu.memory_space<hbm>>
    %dma_wait3A_131 = arith.constant 0 : i32
    %dma_wait3A_132 = arith.constant 0 : i32
    %dma_wait3A_133 = tpu.memref_slice %arg21[%add3A_11, %dma_wait3A_131, %dma_wait3A_132] : memref<4096x50x8xf32, #tpu.memory_space<hbm>> -> memref<8x50x8xf32, #tpu.memory_space<hbm>>
    %dma_wait3A_134 = arith.constant 0 : i32
    %dma_wait3A_135 = arith.constant 0 : i32
    %dma_wait3A_136 = arith.constant 0 : i32
    %dma_wait3A_137 = tpu.memref_slice %arg33[%rem3A_9, %dma_wait3A_134, %dma_wait3A_135, %dma_wait3A_136] : memref<2x8x56x8xf32, #tpu.memory_space<vmem>> -> memref<1x8x50x8xf32, #tpu.memory_space<vmem>>
    %dma_wait3A_138 = tpu.memref_squeeze %dma_wait3A_137 : memref<1x8x50x8xf32, #tpu.memory_space<vmem>> -> memref<8x50x8xf32, #tpu.memory_space<vmem>>
    tpu.wait_dma2 semaphore(%arg38 : memref<!tpu.dma_semaphore, #tpu.memory_space<semaphore_mem>>) src(%dma_wait3A_138 : memref<8x50x8xf32, #tpu.memory_space<vmem>>) dst(%dma_wait3A_133 : memref<8x50x8xf32, #tpu.memory_space<hbm>>)
    %dma_wait3A_139 = arith.constant 0 : i32
    %dma_wait3A_140 = arith.constant 0 : i32
    %dma_wait3A_141 = arith.constant 0 : i32
    %dma_wait3A_142 = tpu.memref_slice %arg34[%rem3A_9, %dma_wait3A_139, %dma_wait3A_140, %dma_wait3A_141] : memref<2x8x56x8xf32, #tpu.memory_space<vmem>> -> memref<1x8x50x8xf32, #tpu.memory_space<vmem>>
    %dma_wait3A_143 = tpu.memref_squeeze %dma_wait3A_142 : memref<1x8x50x8xf32, #tpu.memory_space<vmem>> -> memref<8x50x8xf32, #tpu.memory_space<vmem>>
    %dma_wait3A_144 = arith.constant 0 : i32
    %dma_wait3A_145 = arith.constant 0 : i32
    %dma_wait3A_146 = tpu.memref_slice %arg22[%add3A_11, %dma_wait3A_144, %dma_wait3A_145] : memref<4096x50x8xf32, #tpu.memory_space<hbm>> -> memref<8x50x8xf32, #tpu.memory_space<hbm>>
    %dma_wait3A_147 = arith.constant 0 : i32
    %dma_wait3A_148 = arith.constant 0 : i32
    %dma_wait3A_149 = tpu.memref_slice %arg22[%add3A_11, %dma_wait3A_147, %dma_wait3A_148] : memref<4096x50x8xf32, #tpu.memory_space<hbm>> -> memref<8x50x8xf32, #tpu.memory_space<hbm>>
    %dma_wait3A_150 = arith.constant 0 : i32
    %dma_wait3A_151 = arith.constant 0 : i32
    %dma_wait3A_152 = arith.constant 0 : i32
    %dma_wait3A_153 = tpu.memref_slice %arg34[%rem3A_9, %dma_wait3A_150, %dma_wait3A_151, %dma_wait3A_152] : memref<2x8x56x8xf32, #tpu.memory_space<vmem>> -> memref<1x8x50x8xf32, #tpu.memory_space<vmem>>
    %dma_wait3A_154 = tpu.memref_squeeze %dma_wait3A_153 : memref<1x8x50x8xf32, #tpu.memory_space<vmem>> -> memref<8x50x8xf32, #tpu.memory_space<vmem>>
    tpu.wait_dma2 semaphore(%arg38 : memref<!tpu.dma_semaphore, #tpu.memory_space<semaphore_mem>>) src(%dma_wait3A_154 : memref<8x50x8xf32, #tpu.memory_space<vmem>>) dst(%dma_wait3A_149 : memref<8x50x8xf32, #tpu.memory_space<hbm>>)
    %dma_wait3A_155 = arith.constant 0 : i32
    %dma_wait3A_156 = arith.constant 0 : i32
    %dma_wait3A_157 = arith.constant 0 : i32
    %dma_wait3A_158 = tpu.memref_slice %arg35[%rem3A_9, %dma_wait3A_155, %dma_wait3A_156, %dma_wait3A_157] : memref<2x8x56x8xf32, #tpu.memory_space<vmem>> -> memref<1x8x50x8xf32, #tpu.memory_space<vmem>>
    %dma_wait3A_159 = tpu.memref_squeeze %dma_wait3A_158 : memref<1x8x50x8xf32, #tpu.memory_space<vmem>> -> memref<8x50x8xf32, #tpu.memory_space<vmem>>
    %dma_wait3A_160 = arith.constant 0 : i32
    %dma_wait3A_161 = arith.constant 0 : i32
    %dma_wait3A_162 = tpu.memref_slice %arg23[%add3A_11, %dma_wait3A_160, %dma_wait3A_161] : memref<4096x50x8xf32, #tpu.memory_space<hbm>> -> memref<8x50x8xf32, #tpu.memory_space<hbm>>
    %dma_wait3A_163 = arith.constant 0 : i32
    %dma_wait3A_164 = arith.constant 0 : i32
    %dma_wait3A_165 = tpu.memref_slice %arg23[%add3A_11, %dma_wait3A_163, %dma_wait3A_164] : memref<4096x50x8xf32, #tpu.memory_space<hbm>> -> memref<8x50x8xf32, #tpu.memory_space<hbm>>
    %dma_wait3A_166 = arith.constant 0 : i32
    %dma_wait3A_167 = arith.constant 0 : i32
    %dma_wait3A_168 = arith.constant 0 : i32
    %dma_wait3A_169 = tpu.memref_slice %arg35[%rem3A_9, %dma_wait3A_166, %dma_wait3A_167, %dma_wait3A_168] : memref<2x8x56x8xf32, #tpu.memory_space<vmem>> -> memref<1x8x50x8xf32, #tpu.memory_space<vmem>>
    %dma_wait3A_170 = tpu.memref_squeeze %dma_wait3A_169 : memref<1x8x50x8xf32, #tpu.memory_space<vmem>> -> memref<8x50x8xf32, #tpu.memory_space<vmem>>
    tpu.wait_dma2 semaphore(%arg38 : memref<!tpu.dma_semaphore, #tpu.memory_space<semaphore_mem>>) src(%dma_wait3A_170 : memref<8x50x8xf32, #tpu.memory_space<vmem>>) dst(%dma_wait3A_165 : memref<8x50x8xf32, #tpu.memory_space<hbm>>)
    %dma_wait3A_171 = arith.constant 0 : i32
    %dma_wait3A_172 = arith.constant 0 : i32
    %dma_wait3A_173 = arith.constant 0 : i32
    %dma_wait3A_174 = tpu.memref_slice %arg36[%rem3A_9, %dma_wait3A_171, %dma_wait3A_172, %dma_wait3A_173] : memref<2x8x56x8xf32, #tpu.memory_space<vmem>> -> memref<1x8x50x8xf32, #tpu.memory_space<vmem>>
    %dma_wait3A_175 = tpu.memref_squeeze %dma_wait3A_174 : memref<1x8x50x8xf32, #tpu.memory_space<vmem>> -> memref<8x50x8xf32, #tpu.memory_space<vmem>>
    %dma_wait3A_176 = arith.constant 0 : i32
    %dma_wait3A_177 = arith.constant 0 : i32
    %dma_wait3A_178 = tpu.memref_slice %arg24[%add3A_11, %dma_wait3A_176, %dma_wait3A_177] : memref<4096x50x8xf32, #tpu.memory_space<hbm>> -> memref<8x50x8xf32, #tpu.memory_space<hbm>>
    %dma_wait3A_179 = arith.constant 0 : i32
    %dma_wait3A_180 = arith.constant 0 : i32
    %dma_wait3A_181 = tpu.memref_slice %arg24[%add3A_11, %dma_wait3A_179, %dma_wait3A_180] : memref<4096x50x8xf32, #tpu.memory_space<hbm>> -> memref<8x50x8xf32, #tpu.memory_space<hbm>>
    %dma_wait3A_182 = arith.constant 0 : i32
    %dma_wait3A_183 = arith.constant 0 : i32
    %dma_wait3A_184 = arith.constant 0 : i32
    %dma_wait3A_185 = tpu.memref_slice %arg36[%rem3A_9, %dma_wait3A_182, %dma_wait3A_183, %dma_wait3A_184] : memref<2x8x56x8xf32, #tpu.memory_space<vmem>> -> memref<1x8x50x8xf32, #tpu.memory_space<vmem>>
    %dma_wait3A_186 = tpu.memref_squeeze %dma_wait3A_185 : memref<1x8x50x8xf32, #tpu.memory_space<vmem>> -> memref<8x50x8xf32, #tpu.memory_space<vmem>>
    tpu.wait_dma2 semaphore(%arg38 : memref<!tpu.dma_semaphore, #tpu.memory_space<semaphore_mem>>) src(%dma_wait3A_186 : memref<8x50x8xf32, #tpu.memory_space<vmem>>) dst(%dma_wait3A_181 : memref<8x50x8xf32, #tpu.memory_space<hbm>>)
    return
  }
}

</mosaic_0001>

<sc_bundles>
// kernel: kernel.3.cloned.1.call-start
scs
__scs_entry_jumppad:
0x0: {  	(pc) =	sbr.rel $0x88, $3  }
0x1: {  	(tag) =	ssettag $0x0;
	lr =	simm.s32 $0x1  }
0x2: {  	[smem:$0x3F95] =	sst lr;
	_ =	strace $0xD0000000  }
0x3: {  	_ = 	snop  }
0x4: {  	_ = 	snop  }
0x5: {  	_ = 	snop  }
0x6: {  	_ = 	snop  }
0x7: {  	_ = 	snop  }
__scs_overlays_trampoline_lowered:
0x8: {  	[smem:$0x3FA4] =	sst s0  }
0x9: {  	[smem:$0x3FA5] =	sst s1  }
0xa: {  	[smem:$0x3FA6] =	sst s2  }
0xb: {  	[smem:$0x3FA7] =	sst s3  }
0xc: {  	[smem:$0x3FA8] =	sst s4  }
0xd: {  	[smem:$0x3FA9] =	sst s5  }
0xe: {  	[smem:$0x3FAA] =	sst s6  }
0xf: {  	[smem:$0x3FAB] =	sst s7  }
0x10: {  	[smem:$0x3FAC] =	sst s8  }
0x11: {  	[smem:$0x3FAD] =	sst s9;
	s0 =	simm.s32 @!p0 $0x0  }
0x12: {  	s1 =	sld [smem:$0x3F93];
	s0 =	simm.s32 @p0 $0x1  }
0x13: {  	[smem:$0x3FAE] =	sst s0;
	s0 =	simm.s32 @!p1 $0x0  }
0x14: {  	s2 =	sld [smem:$0x3F92];
	s0 =	simm.s32 @p1 $0x1  }
0x15: {  	[smem:$0x3FAF] =	sst s0;
	s0 =	simm.s32 @!p2 $0x0  }
0x16: {  	s3 =	sld [smem:$0x3FDB];
	s0 =	simm.s32 @p2 $0x1  }
0x17: {  	s4 =	simm.s32 $0x1BF5;
	[smem:$0x3FB1] =	sst s0  }
0x18: {  	s0 =	sld [smem:$0x3F94];
	_ =	swait.ge [sflag:s4], $0x0  }
0x19: {  	s7 =	sld [smem:$0x3F95]  }
0x1a: {  	s8 =	sadd.s32 $0xFFFFE003, lr  }
0x1b: {  	s9 =	sadd.s32 $0xFFFFFEF7, lr;
	s5 =	simm.s32 $0xFFFFFFFF;
	p2 =	slt.u32 s8, $0xFFFFF086  }
0x1c: {  	p1 =	slt.u32 s9, $0xF7A;
	s5 =	simm.s32 @!p2 $0x0  }
0x1d: {  	s5 =	simm.s32 @p1 $0x1;
	p0 =	seq.s32 s7, s2  }
0x1e: {  	s7 =	smul.u32 @!p0 $0xF7A, s2;
	p2 =	seq.s32 @!p0 s5, $0x0  }
0x1f: {  	s9 =	smul.u32 $0xF7A, s1;
	s8 =	simm.s32 @!p0 $0x1BF5;
	p2 =	por !p2, p0  }
0x20: {  	[sflag:s8] =	ssyncset.s32 @!p0 $0xFFFFF086;
	s6 =	sadd.s32 @!p0 s3, s7;
	s7 =	simm.s32 @!p0 $0x108  }
0x21: {  	s3 =	sadd.s32 s3, s9;
	s6 =	sadd.s32 @!p0 $0x88, s6;
	s7 =	simm.s32 @p2 $0x1082  }
0x22: {  	[simem:s7], [sflag:s8] =	dma.local @!p0 [hbm:s6], $0xF7A  }
0x23: {  	s9 =	sor.u32 $0xD0000000, s2;
	s6 =	simm.s32 $0x108;
	_ =	swait.ge @!p0 [sflag:s8], $0x0  }
0x24: {  	s3 =	sadd.s32 $0x88, s3;
	s6 =	simm.s32 @!p1 $0x1082;
	[sflag:s4] =	ssyncset.s32 $0xFFFFF086  }
0x25: {  	[simem:s6], [sflag:s4] =	dma.local [hbm:s3], $0xF7A  }
0x26: {  	[smem:$0x3F95] =	sst s1;
	(tag) =	ssettag s2;
	_ =	strace s9  }
0x27: {  	s1 =	sld [smem:$0x3FA5]  }
0x28: {  	s2 =	sld [smem:$0x3FA6]  }
0x29: {  	s4 =	sld [smem:$0x3FA8]  }
0x2a: {  	p0 =	seq.s32 s5, $0x0;
	s5 =	sld [smem:$0x3FA9]  }
0x2b: {  	s6 =	sld [smem:$0x3FAA]  }
0x2c: {  	s7 =	sld [smem:$0x3FAB]  }
0x2d: {  	s3 =	simm.s32 $0x108;
	s8 =	sld [smem:$0x3FAC]  }
0x2e: {  	s3 =	simm.s32 @!p0 $0x1082;
	s9 =	sld [smem:$0x3FAD]  }
0x2f: {  	lr =	sadd.s32 s0, s3;
	s0 =	sld [smem:$0x3FA4]  }
0x30: {  	s3 =	sld [smem:$0x3FA7]  }
0x31: {  	[smem:$0x3FB0] =	sst s10  }
0x32: {  	s10 =	sld [smem:$0x3FAE];
	_ =	sdelay $0x3  }
0x33: {  	p0 =	seq.s32 s10, $0x1;
	s10 =	sld [smem:$0x3FB0];
	_ =	sdelay $0x3  }
0x34: {  	[smem:$0x3FB0] =	sst s10  }
0x35: {  	s10 =	sld [smem:$0x3FAF];
	_ =	sdelay $0x3  }
0x36: {  	p1 =	seq.s32 s10, $0x1;
	s10 =	sld [smem:$0x3FB0];
	_ =	sdelay $0x3  }
0x37: {  	[smem:$0x3FB0] =	sst s10  }
0x38: {  	s10 =	sld [smem:$0x3FB1]  }
0x39: {  	_ = 	snop;
	(pc) =	sbr.ind lr, $3  }
0x3a: {  	_ = 	snop  }
0x3b: {  	_ = 	snop  }
0x3c: {  	p2 =	seq.s32 s10, $0x1;
	s10 =	sld [smem:$0x3FB0]  }
0x3d: {  	_ =	shalt  }
0x3e: {  	_ =	shalt  }
0x3f: {  	_ =	shalt  }
0x40: {  	_ =	shalt  }
0x41: {  	_ =	shalt  }
0x42: {  	_ =	shalt  }
0x43: {  	_ =	shalt  }
0x44: {  	_ =	shalt  }
0x45: {  	_ =	shalt  }
0x46: {  	_ =	shalt  }
0x47: {  	_ =	shalt  }
0x48: {  	_ =	shalt  }
0x49: {  	_ =	shalt  }
0x4a: {  	_ =	shalt  }
0x4b: {  	_ =	shalt  }
0x4c: {  	_ =	shalt  }
0x4d: {  	_ =	shalt  }
0x4e: {  	_ =	shalt  }
0x4f: {  	_ =	shalt  }
0x50: {  	_ =	shalt  }
0x51: {  	_ =	shalt  }
0x52: {  	_ =	shalt  }
0x53: {  	_ =	shalt  }
0x54: {  	_ =	shalt  }
0x55: {  	_ =	shalt  }
0x56: {  	_ =	shalt  }
0x57: {  	_ =	shalt  }
0x58: {  	_ =	shalt  }
0x59: {  	_ =	shalt  }
0x5a: {  	_ =	shalt  }
0x5b: {  	_ =	shalt  }
0x5c: {  	_ =	shalt  }
0x5d: {  	_ =	shalt  }
0x5e: {  	_ =	shalt  }
0x5f: {  	_ =	shalt  }
0x60: {  	_ =	shalt  }
0x61: {  	_ =	shalt  }
0x62: {  	_ =	shalt  }
0x63: {  	_ =	shalt  }
0x64: {  	_ =	shalt  }
0x65: {  	_ =	shalt  }
0x66: {  	_ =	shalt  }
0x67: {  	_ =	shalt  }
0x68: {  	_ =	shalt  }
0x69: {  	_ =	shalt  }
0x6a: {  	_ =	shalt  }
0x6b: {  	_ =	shalt  }
0x6c: {  	_ =	shalt  }
0x6d: {  	_ =	shalt  }
0x6e: {  	_ =	shalt  }
0x6f: {  	_ =	shalt  }
0x70: {  	_ =	shalt  }
0x71: {  	_ =	shalt  }
0x72: {  	_ =	shalt  }
0x73: {  	_ =	shalt  }
0x74: {  	_ =	shalt  }
0x75: {  	_ =	shalt  }
0x76: {  	_ =	shalt  }
0x77: {  	_ =	shalt  }
0x78: {  	_ =	shalt  }
0x79: {  	_ =	shalt  }
0x7a: {  	_ =	shalt  }
0x7b: {  	_ =	shalt  }
0x7c: {  	_ =	shalt  }
0x7d: {  	_ =	shalt  }
0x7e: {  	_ =	shalt  }
0x7f: {  	_ =	shalt  }
0x80: {  	_ =	shalt  }
0x81: {  	_ =	shalt  }
0x82: {  	_ =	shalt  }
0x83: {  	_ =	shalt  }
0x84: {  	_ =	shalt  }
0x85: {  	_ =	shalt  }
0x86: {  	_ =	shalt  }
0x87: {  	_ =	shalt  }
.Lfunc_end0:
.L_simem_size_0:
called_computation_lowered:
.L_overlay_start_0:
0x88: {  	s2 =	sld [smem:$0x3FD9]  }
0x89: {  	s3 =	sld [smem:$0x3FFE];
	_ =	sdelay $0x1  }
0x8a: {  	s1 =	srdreg.scid  }
0x8b: {  	s0 =	sand.u32 $0x1, s1  }
0x8c: {  	s28 =	sshll.u32 s0, $0xA;
	s2 =	sadd.s32 s3, s2  }
0x8d: {  	s2 =	sadd.s32 s2, s28  }
0x8e: {  	[smem:$0x3FBC] =	sst s2  }
0x8f: {  	_ = 	snop  }
0x90: {  	s6 =	sld [smem:$0x3FD0];
	_ =	sdelay $0x2  }
0x91: {  	s7 =	simm.s32 $0xA;
	s8 =	simm.s32 $0x10  }
0x92: {  	[smem:s8], [sflag:s7] =	dma.local [hbm:s6], $0x1  }
0x93: {  	_ =	swait.eq [sflag:s7], $0x1  }
0x94: {  	s4 =	sld [smem:$0x10]  }
0x95: {  	s9 =	sld [smem:$0x11]  }
0x96: {  	s2 =	sld [smem:$0x12]  }
0x97: {  	s29 =	sld [smem:$0x13]  }
0x98: {  	s5 =	sld [smem:$0x14]  }
0x99: {  	s10 =	sld [smem:$0x15];
	[sflag:s7] =	ssyncset.done $0x0  }
0x9a: {  	s11 =	sld [smem:$0x16];
	[sflag:s7] =	ssyncadd.s32 $0xFFFFFFFF  }
0x9b: {  	s6 =	sadd.s32 $0x1, s6;
	s12 =	sld [smem:$0x17]  }
0x9c: {  	[smem:s8], [sflag:s7] =	dma.local [hbm:s6], $0x1  }
0x9d: {  	_ =	swait.eq [sflag:s7], $0x1  }
0x9e: {  	s30 =	sld [smem:$0x10];
	[sflag:s7] =	ssyncset.done $0x0  }
0x9f: {  	s31 =	sld [smem:$0x11];
	[sflag:s7] =	ssyncadd.s32 $0xFFFFFFFF  }
0xa0: {  	s18 =	sld [smem:$0x12];
	(tm) =	ssettm $0x1  }
0xa1: {  	s13 =	sld [smem:$0x3FFB];
	_ =	sdelay $0x3  }
0xa2: {  	_ =	strace s13  }
0xa3: {  	s13 =	sld [smem:$0x3FFC];
	_ =	sdelay $0x3  }
0xa4: {  	_ =	strace s13  }
0xa5: {  	s13 =	sld [smem:$0x3FFD];
	_ =	sdelay $0x3  }
0xa6: {  	_ =	strace s13  }
0xa7: {  	_ =	strace $0x8FFFFFFF  }
0xa8: {  	s19 =	sld [smem:$0x3FDB];
	_ =	sdelay $0x1  }
0xa9: {  	s14 =	simm.s32 $_scs_section_size  }
0xaa: {  	s15 =	simm.s32 $_size__tile_overlayer_lowered;
	s16 =	simm.s32 $_tile_overlayer_lowered  }
0xab: {  	s22 =	simm.s32 $0x1BFF;
	s21 =	sshll.u32 s16, $0x1;
	s13 =	sadd.s32 s14, s19  }
0xac: {  	s17 =	simm.s32 $0x0;
	s20 =	sshll.u32 s15, $0x1;
	s15 =	sadd.s32 s21, s13  }
0xad: {  	[timem:s17], [sflag:s22] =	dma.local [hbm:s15], s20  }
0xae: {  	_ =	swait.ge [sflag:s22], s20  }
0xaf: {  	s14 =	ssub.s32 $0x0, s20;
	[sflag:s22] =	ssyncset.done $0x0  }
0xb0: {  	[sflag:s22] =	ssyncadd.s32 s14;
	_ =	sdelay $0x1  }
0xb1: {  	s23 =	simm.s32 $0x1B8B  }
0xb2: {  	_ =	swait.ge [sflag:s23], $0x1  }
0xb3: {  	[sflag:s23] =	ssyncset.done $0x0  }
0xb4: {  	s25 =	simm.s32 $0x1B8E;
	s24 =	sld [smem:$0x3FFE];
	[sflag:s23] =	ssyncadd.s32 $0xFFFFFFFF  }
0xb5: {  	s26 =	simm.s32 $execute0_lowered;
	[smem:$0x3FD2] =	sst s25  }
0xb6: {  	s15 =	sshll.u32 s26, $0x1;
	_ =	strace $0x80000046;
	[dreg:$0x1] =	wrdreg $0xFFFFFFFF  }
0xb7: {  	s28 =	simm.s32 $_size_execute0_lowered;
	s13 =	sadd.s32 s13, s15;
	[dreg:$0x0] =	wrdreg $0x0  }
0xb8: {  	s15 =	sshll.u32 s28, $0x1;
	[dreg:$0x2] =	wrdreg s13  }
0xb9: {  	[dreg:$0x3] =	wrdreg s15  }
0xba: {  	[dreg:$0x4] =	wrdreg $0xC0  }
0xbb: {  	_ =	task [dreg:s17], $0x5FFFF  }
0xbc: {  	[dreg:$0x1] =	wrdreg $0xFFFFFFFF  }
0xbd: {  	[dreg:$0x0] =	wrdreg $0x60  }
0xbe: {  	[dreg:$0x2] =	wrdreg s9  }
0xbf: {  	[dreg:$0x3] =	wrdreg s12  }
0xc0: {  	[dreg:$0x4] =	wrdreg s11  }
0xc1: {  	[dreg:$0x5] =	wrdreg s4  }
0xc2: {  	[dreg:$0x6] =	wrdreg s24  }
0xc3: {  	[dreg:$0x7] =	wrdreg s10  }
0xc4: {  	[dreg:$0x8] =	wrdreg s5  }
0xc5: {  	[dreg:$0x9] =	wrdreg s29  }
0xc6: {  	[dreg:$0xa] =	wrdreg s2  }
0xc7: {  	[dreg:$0xb] =	wrdreg s18  }
0xc8: {  	[dreg:$0xc] =	wrdreg s31  }
0xc9: {  	[dreg:$0xd] =	wrdreg s30  }
0xca: {  	[dreg:$0xe] =	wrdreg $0x9  }
0xcb: {  	_ =	task.clear_ibuf [dreg:s17], $0xFFFFF;
	_ =	strace $0x90000046  }
0xcc: {  	s29 =	simm.s32 $0x9;
	_ =	strace $0x80000048  }
0xcd: {  	_ =	swait.ge [sflag:s29], $0x1  }
0xce: {  	[sflag:s29] =	ssyncadd.s32 $0xFFFFFFFF  }
0xcf: {  	_ =	strace $0x90000048  }
0xd0: {  	_ =	sfence  }
0xd1: {  	s30 =	sld [smem:$0x0];
	_ =	sdelay $0x2  }
0xd2: {  	s31 =	sshll.u32 s1, $0xD;
	s1 =	sshrl.u32 s1, $0x2  }
0xd3: {  	s3 =	sand.u32 $0x4000, s31;
	s1 =	sadd.s32 s1, s30  }
0xd4: {  	s0 =	sor.u32 s3, s0;
	s1 =	sshll.u32 s1, $0x11  }
0xd5: {  	s0 =	sor.u32 s1, s0  }
0xd6: {  	s0 =	sadd.s32 $0x8F2B, s0  }
0xd7: {  	[sflag:s0] =	ssyncadd.remote.s32 $0x1  }
0xd8: {  	_ =	sfence.sel $0xFFFF  }
0xd9: {  	[dreg:$0x0] =	wrdreg $0xFFFFFFFF;
	(pc) =	sbr.abs _section_cstart, $3  }
0xda: {  	[dreg:$0x1] =	wrdreg $0xFFFFFFFF  }
0xdb: {  	_ =	task.clear_ibuf [dreg:s17], $0x2FFFF;
	_ =	strace $0x9FFFFFFF  }
0xdc: {  	(tm) =	ssettm $0x7FFFFFFF  }
0xdd: {  	_ =	shalt  }
tec
execute0_lowered:
.L_overlay_start_1:
0x0: {  	(tag) =	ssettag $0x1  }
0x1: {  	s0 =	rddreg [dreg:$0x1]  }
0x2: {  	s17 =	rddreg [dreg:$0x2]  }
0x3: {  	s18 =	rddreg [dreg:$0x3]  }
0x4: {  	s19 =	rddreg [dreg:$0x4]  }
0x5: {  	s1 =	rddreg [dreg:$0x5]  }
0x6: {  	[dreg:$0xe] =	wrdreg s0  }
0x7: {  	[dreg:$0xf] =	wrdreg s17  }
0x8: {  	[dreg:$0x10] =	wrdreg s18  }
0x9: {  	s8 =	simm.s32 $0x0;
	s28 =	srdreg.scid;
	[dreg:$0x17] =	wrdreg s1  }
0xa: {  	s3 =	stileid.u32;
	[smem:$0x7FF] =	sst s8;
	s20 =	sadd.s32 $0x1C00, s19  }
0xb: {  	s21 =	sadd.s32 $0x1E00, s19;
	s22 =	sadd.s32 $0x2000, s19;
	s23 =	sadd.s32 $0x2400, s19  }
0xc: {  	s24 =	sadd.s32 $0x2200, s19;
	_ =	strace $0x80000047;
	[dreg:$0x11] =	wrdreg s20  }
0xd: {  	s25 =	sadd.s32 $0x2600, s19;
	s26 =	sadd.s32 $0x2800, s19;
	[dreg:$0x12] =	wrdreg s21  }
0xe: {  	s2 =	sadd.s32 $0x2A00, s19;
	s10 =	sadd.s32 $0x66A00, s19;
	[dreg:$0x13] =	wrdreg s22  }
0xf: {  	s1 =	sand.u32 $0x1, s28;
	s12 =	sadd.s32 $0xCAA00, s19;
	[dreg:$0x14] =	wrdreg s23  }
0x10: {  	s13 =	sadd.s32 $0xFCA00, s19;
	s14 =	sadd.s32 $0x12EA00, s19;
	[dreg:$0x15] =	wrdreg s24  }
0x11: {  	s31 =	sshll.u32 s3, $0x8;
	[dreg:$0x16] =	wrdreg s25;
	s29 =	ssub.s32 $0x2, s1  }
0x12: {  	s17 =	simm.s32 $0x1;
	[dreg:$0x18] =	wrdreg s26;
	s30 =	sshrl.u32 s29, $0x1  }
0x13: {  	[dreg:$0x19] =	wrdreg s2;
	s1 =	sshll.u32 s1, $0x7;
	s0 =	ssub.s32 s29, s30  }
0x14: {  	s20 =	simm.s32 $0x3;
	s21 =	simm.s32 $0x38;
	s0 =	smax.u32 s0, $0x1  }
0x15: {  	s2 =	simm.s32 $0x0;
	s15 =	sor.u32 s1, s31;
	[dreg:$0x1a] =	wrdreg s0  }
.LBB2_1:
0x16: {  	[dreg:$0x1b] =	wrdreg s2;
	p0 =	por $0x0, $0x0;
	s24 =	simm.s32 $0x0  }
.LBB2_2:
0x17: {  	s3 =	sand.u32 $0x1, s24  }
0x18: {  	s0 =	simm.s32 $0x1;
	s11 =	smul.u32 $0x4D00, s3  }
0x19: {  	s0 =	simm.s32 @!p0 $0x0;
	s28 =	smul.u32 $0x1C00, s3  }
0x1a: {  	s4 =	sshll.u32 s24, $0x3;
	s1 =	smul.u32 $0x7000, s0  }
0x1b: {  	s26 =	sadd.s32 s15, s4;
	s2 =	smul.u32 $0x4D00, s0  }
0x1c: {  	s22 =	rddreg [dreg:$0x0];
	s23 =	simm.s32 $0x1C0;
	s5 =	smul.u32 $0x7, s26  }
0x1d: {  	s25 =	simm.s32 $0x38000;
	s4 =	simm.s32 $0x15A80;
	s6 =	smul.u32 $0x3800, s0  }
0x1e: {  	s0 =	simm.s32 $0x1AE80;
	s19 =	sshrl.u32 s11, $0x2;
	s16 =	sshrl.u32 s1, $0x2  }
0x1f: {  	s18 =	sshrl.u32 s2, $0x2;
	s2 =	sadd.s32 s22, s5;
	s5 =	simm.s32 $0x13E80  }
0x20: {  	[tilespmem:s19], [sflag:$0x3] =	stream.strided.gather [hbm4b:s2+s23], $0x1340, s25, s23, $0x38;
	[tilespmem:$0x1E680] =	vst v63  }
0x21: {  	s6 =	sshrl.u32 s6, $0x2;
	[dreg:$0xd] =	wrdreg s18;
	s29 =	sadd.s32 $0x10680, s16  }
0x22: {  	s30 =	sadd.s32 $0xCE80, s16;
	s31 =	sadd.s32 $0x9680, s16;
	s1 =	sadd.s32 $0x5E80, s16  }
0x23: {  	s11 =	sadd.s32 $0x2680, s16;
	s25 =	smul.u32 $0xE00, s3;
	_ =	swait.ge [sflag:s20], $0x1340  }
0x24: {  	s16 =	simm.s32 $0x0;
	s23 =	simm.s32 $0x1CA80;
	[sflag:s20] =	ssyncset.done $0x0  }
0x25: {  	s2 =	simm.s32 $0x19280;
	s3 =	simm.s32 $0x17680;
	[sflag:s20] =	ssyncadd.s32 $0xFFFFECC0  }
.LBB2_3:
0x26: {  	s7 =	rddreg [dreg:$0xd]  }
0x27: {  	s18 =	rddreg [dreg:$0xe]  }
0x28: {  	s19 =	sshra.s32 s16, $0x2;
	s22 =	rddreg [dreg:$0x10];
	p1 =	sne.s32 s16, $0x620  }
0x29: {  	s16 =	sadd.s32 $0xE0, s16;
	s7 =	sadd.s32 s19, s7;
	s19 =	rddreg [dreg:$0xf]  }
0x2a: {  	[tilespmem:s11], [sflag:$0x1] =	stream.indirect.gather [hbm4b:s18+s21], $0x10, s7, s21, $0xb8;
	[tilespmem:$0x1E680] =	vst v63  }
0x2b: {  	s9 =	sadd.s32 $0x1C0, s7;
	s18 =	sadd.s32 s6, s5;
	s5 =	sadd.s32 $0x1C0, s5  }
0x2c: {  	[tilespmem:s1], [sflag:$0x1] =	stream.indirect.gather [hbm4b:s19+s21], $0x10, s9, s21, $0xb8;
	[tilespmem:$0x1E680] =	vst v63  }
0x2d: {  	s11 =	sadd.s32 $0x380, s11;
	s9 =	sadd.s32 $0x380, s7;
	s19 =	rddreg [dreg:$0x11]  }
0x2e: {  	[tilespmem:s31], [sflag:$0x1] =	stream.indirect.gather [hbm4b:s22+s21], $0x10, s9, s21, $0xb8;
	[tilespmem:$0x1E680] =	vst v63  }
0x2f: {  	s1 =	sadd.s32 $0x380, s1;
	s9 =	sadd.s32 $0x540, s7;
	s22 =	rddreg [dreg:$0x12]  }
0x30: {  	[tilespmem:s30], [sflag:$0x1] =	stream.indirect.gather [hbm4b:s19+s21], $0x10, s9, s21, $0xb8;
	[tilespmem:$0x1E680] =	vst v63  }
0x31: {  	s31 =	sadd.s32 $0x380, s31;
	s9 =	sadd.s32 $0x700, s7;
	s19 =	rddreg [dreg:$0x13]  }
0x32: {  	[tilespmem:s29], [sflag:$0x1] =	stream.indirect.gather [hbm4b:s22+s21], $0x10, s9, s21, $0xb8;
	[tilespmem:$0x1E680] =	vst v63  }
0x33: {  	s30 =	sadd.s32 $0x380, s30;
	s22 =	sadd.s32 $0x8C0, s7;
	s9 =	rddreg [dreg:$0x14]  }
0x34: {  	[tilespmem:s18], [sflag:$0x1] =	stream.indirect.gather [hbm4b:s19+s21], $0x8, s22, s21, $0xb8;
	[tilespmem:$0x1E680] =	vst v63  }
0x35: {  	s29 =	sadd.s32 $0x380, s29;
	s18 =	sadd.s32 s6, s4;
	s19 =	sadd.s32 $0xA80, s7  }
0x36: {  	[tilespmem:s18], [sflag:$0x1] =	stream.indirect.gather [hbm4b:s9+s21], $0x8, s19, s21, $0xb8;
	[tilespmem:$0x1E680] =	vst v63  }
0x37: {  	s22 =	rddreg [dreg:$0x15];
	s4 =	sadd.s32 $0x1C0, s4;
	s9 =	sadd.s32 s6, s3  }
0x38: {  	s18 =	sadd.s32 $0xC40, s7;
	s19 =	rddreg [dreg:$0x16];
	s3 =	sadd.s32 $0x1C0, s3  }
0x39: {  	[tilespmem:s9], [sflag:$0x1] =	stream.indirect.gather [hbm4b:s22+s21], $0x8, s18, s21, $0xb8;
	[tilespmem:$0x1E680] =	vst v63  }
0x3a: {  	s9 =	sadd.s32 s6, s2;
	s18 =	sadd.s32 $0xE00, s7;
	s22 =	rddreg [dreg:$0x17]  }
0x3b: {  	[tilespmem:s9], [sflag:$0x1] =	stream.indirect.gather [hbm4b:s19+s21], $0x8, s18, s21, $0xb8;
	[tilespmem:$0x1E680] =	vst v63  }
.Ltmp0:
0x3c: {  	s2 =	sadd.s32 $0x1C0, s2;
	s9 =	sadd.s32 s6, s0;
	(pc) =	sbr.rel @p1 .LBB2_3-.Ltmp0, $4  }
0x3d: {  	s18 =	sadd.s32 $0xFC0, s7;
	s19 =	rddreg [dreg:$0x18];
	s7 =	sadd.s32 $0x1180, s7  }
0x3e: {  	[tilespmem:s9], [sflag:$0x1] =	stream.indirect.gather [hbm4b:s22+s21], $0x8, s18, s21, $0xb8;
	[tilespmem:$0x1E680] =	vst v63  }
0x3f: {  	s0 =	sadd.s32 $0x1C0, s0;
	s22 =	sadd.s32 s6, s23;
	s23 =	sadd.s32 $0x1C0, s23  }
0x40: {  	[tilespmem:s22], [sflag:$0x1] =	stream.indirect.gather [hbm4b:s19+s21], $0x8, s7, s21, $0xb8;
	[tilespmem:$0x1E680] =	vst v63  }
0x41: {  	_ =	swait.ge [sflag:s17], $0x380  }
0x42: {  	[sflag:s17] =	ssyncset.done $0x0  }
0x43: {  	[sflag:s17] =	ssyncadd.s32 $0xFFFFFC80  }
0x44: {  	_ =	swait.ge [sflag:s17], $0x380  }
0x45: {  	[sflag:s17] =	ssyncset.done $0x0  }
0x46: {  	[sflag:s17] =	ssyncadd.s32 $0xFFFFFC80  }
0x47: {  	_ =	swait.ge [sflag:s17], $0x380  }
0x48: {  	[sflag:s17] =	ssyncset.done $0x0  }
0x49: {  	[sflag:s17] =	ssyncadd.s32 $0xFFFFFC80  }
0x4a: {  	_ =	swait.ge [sflag:s17], $0x380  }
0x4b: {  	[sflag:s17] =	ssyncset.done $0x0  }
0x4c: {  	[sflag:s17] =	ssyncadd.s32 $0xFFFFFC80  }
0x4d: {  	_ =	swait.ge [sflag:s17], $0x380  }
0x4e: {  	[sflag:s17] =	ssyncset.done $0x0  }
0x4f: {  	[sflag:s17] =	ssyncadd.s32 $0xFFFFFC80  }
0x50: {  	_ =	swait.ge [sflag:s17], $0x1C0  }
0x51: {  	[sflag:s17] =	ssyncset.done $0x0  }
0x52: {  	[sflag:s17] =	ssyncadd.s32 $0xFFFFFE40  }
0x53: {  	_ =	swait.ge [sflag:s17], $0x1C0  }
0x54: {  	[sflag:s17] =	ssyncset.done $0x0  }
0x55: {  	[sflag:s17] =	ssyncadd.s32 $0xFFFFFE40  }
0x56: {  	_ =	swait.ge [sflag:s17], $0x1C0  }
0x57: {  	[sflag:s17] =	ssyncset.done $0x0  }
0x58: {  	[sflag:s17] =	ssyncadd.s32 $0xFFFFFE40  }
0x59: {  	_ =	swait.ge [sflag:s17], $0x1C0  }
0x5a: {  	[sflag:s17] =	ssyncset.done $0x0  }
0x5b: {  	[sflag:s17] =	ssyncadd.s32 $0xFFFFFE40  }
0x5c: {  	_ =	swait.ge [sflag:s17], $0x1C0  }
0x5d: {  	[sflag:s17] =	ssyncset.done $0x0  }
0x5e: {  	[sflag:s17] =	ssyncadd.s32 $0xFFFFFE40  }
0x5f: {  	_ =	swait.ge [sflag:s17], $0x1C0  }
0x60: {  	s29 =	simm.s32 $0x7;
	[sflag:s17] =	ssyncset.done $0x0  }
.LBB2_5:
0x61: {  	p1 =	sne.s32 s29, $0x1;
	s29 =	sadd.s32 $0xFFFFFFFF, s29;
	[sflag:s17] =	ssyncadd.s32 $0xFFFFFE40  }
0x62: {  	_ =	swait.ge [sflag:s17], $0x380  }
0x63: {  	[sflag:s17] =	ssyncset.done $0x0  }
0x64: {  	[sflag:s17] =	ssyncadd.s32 $0xFFFFFC80  }
0x65: {  	_ =	swait.ge [sflag:s17], $0x380  }
0x66: {  	[sflag:s17] =	ssyncset.done $0x0  }
0x67: {  	[sflag:s17] =	ssyncadd.s32 $0xFFFFFC80  }
0x68: {  	_ =	swait.ge [sflag:s17], $0x380  }
0x69: {  	[sflag:s17] =	ssyncset.done $0x0  }
0x6a: {  	[sflag:s17] =	ssyncadd.s32 $0xFFFFFC80  }
0x6b: {  	_ =	swait.ge [sflag:s17], $0x380  }
0x6c: {  	[sflag:s17] =	ssyncset.done $0x0  }
0x6d: {  	[sflag:s17] =	ssyncadd.s32 $0xFFFFFC80  }
0x6e: {  	_ =	swait.ge [sflag:s17], $0x380  }
0x6f: {  	[sflag:s17] =	ssyncset.done $0x0  }
0x70: {  	[sflag:s17] =	ssyncadd.s32 $0xFFFFFC80  }
0x71: {  	_ =	swait.ge [sflag:s17], $0x1C0  }
0x72: {  	[sflag:s17] =	ssyncset.done $0x0  }
0x73: {  	[sflag:s17] =	ssyncadd.s32 $0xFFFFFE40  }
0x74: {  	_ =	swait.ge [sflag:s17], $0x1C0  }
0x75: {  	[sflag:s17] =	ssyncset.done $0x0  }
0x76: {  	[sflag:s17] =	ssyncadd.s32 $0xFFFFFE40  }
0x77: {  	_ =	swait.ge [sflag:s17], $0x1C0  }
0x78: {  	[sflag:s17] =	ssyncset.done $0x0  }
0x79: {  	[sflag:s17] =	ssyncadd.s32 $0xFFFFFE40  }
0x7a: {  	_ =	swait.ge [sflag:s17], $0x1C0  }
0x7b: {  	[sflag:s17] =	ssyncset.done $0x0  }
0x7c: {  	[sflag:s17] =	ssyncadd.s32 $0xFFFFFE40  }
.Ltmp1:
0x7d: {  	_ =	swait.ge [sflag:s17], $0x1C0;
	(pc) =	sbr.rel @p1 .LBB2_5-.Ltmp1, $4  }
0x7e: {  	[sflag:s17] =	ssyncset.done $0x0  }
0x7f: {  	[sflag:s17] =	ssyncadd.s32 $0xFFFFFE40  }
0x80: {  	_ =	swait.ge [sflag:s17], $0x1C0  }
0x81: {  	[sflag:s17] =	ssyncset.done $0x0  }
0x82: {  	p1 =	seq.s32 s24, $0x0  }
0x83: {  	[sflag:s17] =	ssyncadd.s32 $0xFFFFFE40;
	s0 =	simm.s32 @!p1 $0x2  }
0x84: {  	_ =	swait.ge @!p1 [sflag:s0], $0x1900  }
0x85: {  	[sflag:s0] =	ssyncset.done @!p1 $0x0  }
0x86: {  	[sflag:s0] =	ssyncadd.s32 @!p1 $0xFFFFE700  }
0x87: {  	_ =	swait.ge @!p1 [sflag:s0], $0x1900  }
0x88: {  	[sflag:s0] =	ssyncset.done @!p1 $0x0  }
0x89: {  	[sflag:s0] =	ssyncadd.s32 @!p1 $0xFFFFE700  }
0x8a: {  	_ =	swait.ge @!p1 [sflag:s0], $0x1900  }
0x8b: {  	[sflag:s0] =	ssyncset.done @!p1 $0x0  }
0x8c: {  	[sflag:s0] =	ssyncadd.s32 @!p1 $0xFFFFE700  }
0x8d: {  	_ =	swait.ge @!p1 [sflag:s0], $0x1900  }
0x8e: {  	[sflag:s0] =	ssyncset.done @!p1 $0x0  }
0x8f: {  	[sflag:s0] =	ssyncadd.s32 @!p1 $0xFFFFE700  }
0x90: {  	_ =	swait.ge @!p1 [sflag:s0], $0x1900  }
0x91: {  	[sflag:s0] =	ssyncset.done @!p1 $0x0  }
0x92: {  	[sflag:s0] =	ssyncadd.s32 @!p1 $0xFFFFE700  }
0x93: {  	_ =	swait.ge @!p1 [sflag:s0], $0xC80  }
0x94: {  	[sflag:s0] =	ssyncset.done @!p1 $0x0  }
0x95: {  	[sflag:s0] =	ssyncadd.s32 @!p1 $0xFFFFF380  }
0x96: {  	_ =	swait.ge @!p1 [sflag:s0], $0xC80  }
0x97: {  	[sflag:s0] =	ssyncset.done @!p1 $0x0  }
0x98: {  	[sflag:s0] =	ssyncadd.s32 @!p1 $0xFFFFF380  }
0x99: {  	_ =	swait.ge @!p1 [sflag:s0], $0xC80  }
0x9a: {  	[sflag:s0] =	ssyncset.done @!p1 $0x0  }
0x9b: {  	[sflag:s0] =	ssyncadd.s32 @!p1 $0xFFFFF380  }
0x9c: {  	_ =	swait.ge @!p1 [sflag:s0], $0xC80  }
0x9d: {  	[sflag:s0] =	ssyncset.done @!p1 $0x0  }
0x9e: {  	[sflag:s0] =	ssyncadd.s32 @!p1 $0xFFFFF380  }
0x9f: {  	_ =	swait.ge @!p1 [sflag:s0], $0xC80  }
0xa0: {  	[sflag:s0] =	ssyncset.done @!p1 $0x0  }
0xa1: {  	[sflag:s0] =	ssyncadd.s32 @!p1 $0xFFFFF380  }
0xa2: {  	_ =	swait.ge @!p1 [sflag:s0], $0xC80  }
0xa3: {  	[sflag:s0] =	ssyncset.done @!p1 $0x0  }
0xa4: {  	s29 =	smul.u32 $0x64, s26;
	[sflag:s0] =	ssyncadd.s32 @!p1 $0xFFFFF380  }
0xa5: {  	s0 =	rddreg [dreg:$0x6]  }
0xa6: {  	s1 =	sadd.s32 $0x2680, s28;
	s0 =	sadd.s32 s0, s29  }
0xa7: {  	[hbm4b:s0+s8] =	stream.linear.scatter [tilespmem:s1], [sflag:$0x2], $0x320, $0x38;
	[tilespmem:$0x1E680] =	vst v63  }
0xa8: {  	s3 =	sadd.s32 $0x2A00, s28;
	s2 =	sadd.s32 $0x64, s0  }
0xa9: {  	[hbm4b:s2+s8] =	stream.linear.scatter [tilespmem:s3], [sflag:$0x2], $0x320, $0x38;
	[tilespmem:$0x1E680] =	vst v63  }
0xaa: {  	s4 =	sadd.s32 $0x2D80, s28;
	s5 =	sadd.s32 $0xC8, s0  }
0xab: {  	[hbm4b:s5+s8] =	stream.linear.scatter [tilespmem:s4], [sflag:$0x2], $0x320, $0x38;
	[tilespmem:$0x1E680] =	vst v63  }
0xac: {  	s6 =	sadd.s32 $0x3100, s28;
	s7 =	sadd.s32 $0x12C, s0  }
0xad: {  	[hbm4b:s7+s8] =	stream.linear.scatter [tilespmem:s6], [sflag:$0x2], $0x320, $0x38;
	[tilespmem:$0x1E680] =	vst v63  }
0xae: {  	s9 =	sadd.s32 $0x3480, s28;
	s11 =	sadd.s32 $0x190, s0  }
0xaf: {  	[hbm4b:s11+s8] =	stream.linear.scatter [tilespmem:s9], [sflag:$0x2], $0x320, $0x38;
	[tilespmem:$0x1E680] =	vst v63  }
0xb0: {  	s16 =	sadd.s32 $0x3800, s28;
	s18 =	sadd.s32 $0x1F4, s0  }
0xb1: {  	[hbm4b:s18+s8] =	stream.linear.scatter [tilespmem:s16], [sflag:$0x2], $0x320, $0x38;
	[tilespmem:$0x1E680] =	vst v63  }
0xb2: {  	s19 =	sadd.s32 $0x3B80, s28;
	s22 =	sadd.s32 $0x258, s0  }
0xb3: {  	[hbm4b:s22+s8] =	stream.linear.scatter [tilespmem:s19], [sflag:$0x2], $0x320, $0x38;
	[tilespmem:$0x1E680] =	vst v63  }
0xb4: {  	s23 =	sadd.s32 $0x3F00, s28;
	s30 =	rddreg [dreg:$0x7];
	s0 =	sadd.s32 $0x2BC, s0  }
0xb5: {  	[hbm4b:s0+s8] =	stream.linear.scatter [tilespmem:s23], [sflag:$0x2], $0x320, $0x38;
	[tilespmem:$0x1E680] =	vst v63  }
0xb6: {  	s31 =	sadd.s32 $0x5E80, s28;
	s0 =	sadd.s32 s30, s29  }
0xb7: {  	[hbm4b:s0+s8] =	stream.linear.scatter [tilespmem:s31], [sflag:$0x2], $0x320, $0x38;
	[tilespmem:$0x1E680] =	vst v63  }
0xb8: {  	s2 =	sadd.s32 $0x6200, s28;
	s3 =	sadd.s32 $0x64, s0  }
0xb9: {  	[hbm4b:s3+s8] =	stream.linear.scatter [tilespmem:s2], [sflag:$0x2], $0x320, $0x38;
	[tilespmem:$0x1E680] =	vst v63  }
0xba: {  	s4 =	sadd.s32 $0x6580, s28;
	s5 =	sadd.s32 $0xC8, s0  }
0xbb: {  	[hbm4b:s5+s8] =	stream.linear.scatter [tilespmem:s4], [sflag:$0x2], $0x320, $0x38;
	[tilespmem:$0x1E680] =	vst v63  }
0xbc: {  	s6 =	sadd.s32 $0x6900, s28;
	s7 =	sadd.s32 $0x12C, s0  }
0xbd: {  	[hbm4b:s7+s8] =	stream.linear.scatter [tilespmem:s6], [sflag:$0x2], $0x320, $0x38;
	[tilespmem:$0x1E680] =	vst v63  }
0xbe: {  	s9 =	sadd.s32 $0x6C80, s28;
	s11 =	sadd.s32 $0x190, s0  }
0xbf: {  	[hbm4b:s11+s8] =	stream.linear.scatter [tilespmem:s9], [sflag:$0x2], $0x320, $0x38;
	[tilespmem:$0x1E680] =	vst v63  }
0xc0: {  	s16 =	sadd.s32 $0x7000, s28;
	s18 =	sadd.s32 $0x1F4, s0  }
0xc1: {  	[hbm4b:s18+s8] =	stream.linear.scatter [tilespmem:s16], [sflag:$0x2], $0x320, $0x38;
	[tilespmem:$0x1E680] =	vst v63  }
0xc2: {  	s19 =	sadd.s32 $0x7380, s28;
	s22 =	sadd.s32 $0x258, s0  }
0xc3: {  	[hbm4b:s22+s8] =	stream.linear.scatter [tilespmem:s19], [sflag:$0x2], $0x320, $0x38;
	[tilespmem:$0x1E680] =	vst v63  }
0xc4: {  	s23 =	sadd.s32 $0x7700, s28;
	s30 =	rddreg [dreg:$0x8];
	s0 =	sadd.s32 $0x2BC, s0  }
0xc5: {  	[hbm4b:s0+s8] =	stream.linear.scatter [tilespmem:s23], [sflag:$0x2], $0x320, $0x38;
	[tilespmem:$0x1E680] =	vst v63  }
0xc6: {  	s31 =	sadd.s32 $0x9680, s28;
	s0 =	sadd.s32 s30, s29  }
0xc7: {  	[hbm4b:s0+s8] =	stream.linear.scatter [tilespmem:s31], [sflag:$0x2], $0x320, $0x38;
	[tilespmem:$0x1E680] =	vst v63  }
0xc8: {  	s2 =	sadd.s32 $0x9A00, s28;
	s3 =	sadd.s32 $0x64, s0  }
0xc9: {  	[hbm4b:s3+s8] =	stream.linear.scatter [tilespmem:s2], [sflag:$0x2], $0x320, $0x38;
	[tilespmem:$0x1E680] =	vst v63  }
0xca: {  	s4 =	sadd.s32 $0x9D80, s28;
	s5 =	sadd.s32 $0xC8, s0  }
0xcb: {  	[hbm4b:s5+s8] =	stream.linear.scatter [tilespmem:s4], [sflag:$0x2], $0x320, $0x38;
	[tilespmem:$0x1E680] =	vst v63  }
0xcc: {  	s6 =	sadd.s32 $0xA100, s28;
	s7 =	sadd.s32 $0x12C, s0  }
0xcd: {  	[hbm4b:s7+s8] =	stream.linear.scatter [tilespmem:s6], [sflag:$0x2], $0x320, $0x38;
	[tilespmem:$0x1E680] =	vst v63  }
0xce: {  	s9 =	sadd.s32 $0xA480, s28;
	s11 =	sadd.s32 $0x190, s0  }
0xcf: {  	[hbm4b:s11+s8] =	stream.linear.scatter [tilespmem:s9], [sflag:$0x2], $0x320, $0x38;
	[tilespmem:$0x1E680] =	vst v63  }
0xd0: {  	s16 =	sadd.s32 $0xA800, s28;
	s18 =	sadd.s32 $0x1F4, s0  }
0xd1: {  	[hbm4b:s18+s8] =	stream.linear.scatter [tilespmem:s16], [sflag:$0x2], $0x320, $0x38;
	[tilespmem:$0x1E680] =	vst v63  }
0xd2: {  	s19 =	sadd.s32 $0xAB80, s28;
	s22 =	sadd.s32 $0x258, s0  }
0xd3: {  	[hbm4b:s22+s8] =	stream.linear.scatter [tilespmem:s19], [sflag:$0x2], $0x320, $0x38;
	[tilespmem:$0x1E680] =	vst v63  }
0xd4: {  	s23 =	sadd.s32 $0xAF00, s28;
	s30 =	rddreg [dreg:$0x19];
	s0 =	sadd.s32 $0x2BC, s0  }
0xd5: {  	[hbm4b:s0+s8] =	stream.linear.scatter [tilespmem:s23], [sflag:$0x2], $0x320, $0x38;
	[tilespmem:$0x1E680] =	vst v63  }
0xd6: {  	s31 =	sadd.s32 $0xCE80, s28;
	s0 =	sadd.s32 s30, s29  }
0xd7: {  	[hbm4b:s0+s8] =	stream.linear.scatter [tilespmem:s31], [sflag:$0x2], $0x320, $0x38;
	[tilespmem:$0x1E680] =	vst v63  }
0xd8: {  	s2 =	sadd.s32 $0xD200, s28;
	s3 =	sadd.s32 $0x64, s0  }
0xd9: {  	[hbm4b:s3+s8] =	stream.linear.scatter [tilespmem:s2], [sflag:$0x2], $0x320, $0x38;
	[tilespmem:$0x1E680] =	vst v63  }
0xda: {  	s4 =	sadd.s32 $0xD580, s28;
	s5 =	sadd.s32 $0xC8, s0  }
0xdb: {  	[hbm4b:s5+s8] =	stream.linear.scatter [tilespmem:s4], [sflag:$0x2], $0x320, $0x38;
	[tilespmem:$0x1E680] =	vst v63  }
0xdc: {  	s6 =	sadd.s32 $0xD900, s28;
	s7 =	sadd.s32 $0x12C, s0  }
0xdd: {  	[hbm4b:s7+s8] =	stream.linear.scatter [tilespmem:s6], [sflag:$0x2], $0x320, $0x38;
	[tilespmem:$0x1E680] =	vst v63  }
0xde: {  	s9 =	sadd.s32 $0xDC80, s28;
	s11 =	sadd.s32 $0x190, s0  }
0xdf: {  	[hbm4b:s11+s8] =	stream.linear.scatter [tilespmem:s9], [sflag:$0x2], $0x320, $0x38;
	[tilespmem:$0x1E680] =	vst v63  }
0xe0: {  	s16 =	sor.u32 $0xE000, s28;
	s18 =	sadd.s32 $0x1F4, s0  }
0xe1: {  	[hbm4b:s18+s8] =	stream.linear.scatter [tilespmem:s16], [sflag:$0x2], $0x320, $0x38;
	[tilespmem:$0x1E680] =	vst v63  }
0xe2: {  	s19 =	sadd.s32 $0xE380, s28;
	s22 =	sadd.s32 $0x258, s0  }
0xe3: {  	[hbm4b:s22+s8] =	stream.linear.scatter [tilespmem:s19], [sflag:$0x2], $0x320, $0x38;
	[tilespmem:$0x1E680] =	vst v63  }
0xe4: {  	s23 =	sadd.s32 $0xE700, s28;
	s0 =	sadd.s32 $0x2BC, s0  }
0xe5: {  	[hbm4b:s0+s8] =	stream.linear.scatter [tilespmem:s23], [sflag:$0x2], $0x320, $0x38;
	[tilespmem:$0x1E680] =	vst v63  }
0xe6: {  	s30 =	sadd.s32 s10, s29;
	s31 =	sadd.s32 $0x10680, s28  }
0xe7: {  	[hbm4b:s30+s8] =	stream.linear.scatter [tilespmem:s31], [sflag:$0x2], $0x320, $0x38;
	[tilespmem:$0x1E680] =	vst v63  }
0xe8: {  	s2 =	sadd.s32 $0x10A00, s28;
	s3 =	sadd.s32 $0x64, s30  }
0xe9: {  	[hbm4b:s3+s8] =	stream.linear.scatter [tilespmem:s2], [sflag:$0x2], $0x320, $0x38;
	[tilespmem:$0x1E680] =	vst v63  }
0xea: {  	s4 =	sadd.s32 $0x10D80, s28;
	s5 =	sadd.s32 $0xC8, s30  }
0xeb: {  	[hbm4b:s5+s8] =	stream.linear.scatter [tilespmem:s4], [sflag:$0x2], $0x320, $0x38;
	[tilespmem:$0x1E680] =	vst v63  }
0xec: {  	s6 =	sadd.s32 $0x11100, s28;
	s7 =	sadd.s32 $0x12C, s30  }
0xed: {  	[hbm4b:s7+s8] =	stream.linear.scatter [tilespmem:s6], [sflag:$0x2], $0x320, $0x38;
	[tilespmem:$0x1E680] =	vst v63  }
0xee: {  	s9 =	sadd.s32 $0x11480, s28;
	s11 =	sadd.s32 $0x190, s30  }
0xef: {  	[hbm4b:s11+s8] =	stream.linear.scatter [tilespmem:s9], [sflag:$0x2], $0x320, $0x38;
	[tilespmem:$0x1E680] =	vst v63  }
0xf0: {  	s16 =	sadd.s32 $0x11800, s28;
	s18 =	sadd.s32 $0x1F4, s30  }
0xf1: {  	[hbm4b:s18+s8] =	stream.linear.scatter [tilespmem:s16], [sflag:$0x2], $0x320, $0x38;
	[tilespmem:$0x1E680] =	vst v63  }
0xf2: {  	s26 =	smul.u32 $0x32, s26;
	s19 =	sadd.s32 $0x11B80, s28;
	s22 =	sadd.s32 $0x258, s30  }
0xf3: {  	[hbm4b:s22+s8] =	stream.linear.scatter [tilespmem:s19], [sflag:$0x2], $0x320, $0x38;
	[tilespmem:$0x1E680] =	vst v63  }
0xf4: {  	s23 =	sadd.s32 $0x11F00, s28;
	s0 =	sadd.s32 $0x2BC, s30;
	s28 =	rddreg [dreg:$0x9]  }
0xf5: {  	[hbm4b:s0+s8] =	stream.linear.scatter [tilespmem:s23], [sflag:$0x2], $0x320, $0x38;
	[tilespmem:$0x1E680] =	vst v63  }
0xf6: {  	s29 =	sadd.s32 $0x13E80, s25;
	s0 =	sadd.s32 s28, s26  }
0xf7: {  	[hbm4b:s0+s8] =	stream.linear.scatter [tilespmem:s29], [sflag:$0x2], $0x190, $0x38;
	[tilespmem:$0x1E680] =	vst v63  }
0xf8: {  	s30 =	sadd.s32 $0x14040, s25;
	s31 =	sadd.s32 $0x32, s0  }
0xf9: {  	[hbm4b:s31+s8] =	stream.linear.scatter [tilespmem:s30], [sflag:$0x2], $0x190, $0x38;
	[tilespmem:$0x1E680] =	vst v63  }
0xfa: {  	s2 =	sadd.s32 $0x14200, s25;
	s3 =	sadd.s32 $0x64, s0  }
0xfb: {  	[hbm4b:s3+s8] =	stream.linear.scatter [tilespmem:s2], [sflag:$0x2], $0x190, $0x38;
	[tilespmem:$0x1E680] =	vst v63  }
0xfc: {  	s4 =	sadd.s32 $0x143C0, s25;
	s5 =	sadd.s32 $0x96, s0  }
0xfd: {  	[hbm4b:s5+s8] =	stream.linear.scatter [tilespmem:s4], [sflag:$0x2], $0x190, $0x38;
	[tilespmem:$0x1E680] =	vst v63  }
0xfe: {  	s6 =	sadd.s32 $0x14580, s25;
	s7 =	sadd.s32 $0xC8, s0  }
0xff: {  	[hbm4b:s7+s8] =	stream.linear.scatter [tilespmem:s6], [sflag:$0x2], $0x190, $0x38;
	[tilespmem:$0x1E680] =	vst v63  }
0x100: {  	s9 =	sadd.s32 $0x14740, s25;
	s11 =	sadd.s32 $0xFA, s0  }
0x101: {  	[hbm4b:s11+s8] =	stream.linear.scatter [tilespmem:s9], [sflag:$0x2], $0x190, $0x38;
	[tilespmem:$0x1E680] =	vst v63  }
0x102: {  	s16 =	sadd.s32 $0x14900, s25;
	s18 =	sadd.s32 $0x12C, s0  }
0x103: {  	[hbm4b:s18+s8] =	stream.linear.scatter [tilespmem:s16], [sflag:$0x2], $0x190, $0x38;
	[tilespmem:$0x1E680] =	vst v63  }
0x104: {  	s19 =	sadd.s32 $0x14AC0, s25;
	s22 =	rddreg [dreg:$0xa];
	s0 =	sadd.s32 $0x15E, s0  }
0x105: {  	[hbm4b:s0+s8] =	stream.linear.scatter [tilespmem:s19], [sflag:$0x2], $0x190, $0x38;
	[tilespmem:$0x1E680] =	vst v63  }
0x106: {  	s23 =	sadd.s32 $0x15A80, s25;
	s0 =	sadd.s32 s22, s26  }
0x107: {  	[hbm4b:s0+s8] =	stream.linear.scatter [tilespmem:s23], [sflag:$0x2], $0x190, $0x38;
	[tilespmem:$0x1E680] =	vst v63  }
0x108: {  	s28 =	sadd.s32 $0x15C40, s25;
	s29 =	sadd.s32 $0x32, s0  }
0x109: {  	[hbm4b:s29+s8] =	stream.linear.scatter [tilespmem:s28], [sflag:$0x2], $0x190, $0x38;
	[tilespmem:$0x1E680] =	vst v63  }
0x10a: {  	s30 =	sadd.s32 $0x15E00, s25;
	s31 =	sadd.s32 $0x64, s0  }
0x10b: {  	[hbm4b:s31+s8] =	stream.linear.scatter [tilespmem:s30], [sflag:$0x2], $0x190, $0x38;
	[tilespmem:$0x1E680] =	vst v63  }
0x10c: {  	s2 =	sadd.s32 $0x15FC0, s25;
	s3 =	sadd.s32 $0x96, s0  }
0x10d: {  	[hbm4b:s3+s8] =	stream.linear.scatter [tilespmem:s2], [sflag:$0x2], $0x190, $0x38;
	[tilespmem:$0x1E680] =	vst v63  }
0x10e: {  	s4 =	sadd.s32 $0x16180, s25;
	s5 =	sadd.s32 $0xC8, s0  }
0x10f: {  	[hbm4b:s5+s8] =	stream.linear.scatter [tilespmem:s4], [sflag:$0x2], $0x190, $0x38;
	[tilespmem:$0x1E680] =	vst v63  }
0x110: {  	s6 =	sadd.s32 $0x16340, s25;
	s7 =	sadd.s32 $0xFA, s0  }
0x111: {  	[hbm4b:s7+s8] =	stream.linear.scatter [tilespmem:s6], [sflag:$0x2], $0x190, $0x38;
	[tilespmem:$0x1E680] =	vst v63  }
0x112: {  	s9 =	sadd.s32 $0x16500, s25;
	s11 =	sadd.s32 $0x12C, s0  }
0x113: {  	[hbm4b:s11+s8] =	stream.linear.scatter [tilespmem:s9], [sflag:$0x2], $0x190, $0x38;
	[tilespmem:$0x1E680] =	vst v63  }
0x114: {  	s16 =	sadd.s32 $0x166C0, s25;
	s18 =	rddreg [dreg:$0xb];
	s0 =	sadd.s32 $0x15E, s0  }
0x115: {  	[hbm4b:s0+s8] =	stream.linear.scatter [tilespmem:s16], [sflag:$0x2], $0x190, $0x38;
	[tilespmem:$0x1E680] =	vst v63  }
0x116: {  	s19 =	sadd.s32 $0x17680, s25;
	s0 =	sadd.s32 s18, s26  }
0x117: {  	[hbm4b:s0+s8] =	stream.linear.scatter [tilespmem:s19], [sflag:$0x2], $0x190, $0x38;
	[tilespmem:$0x1E680] =	vst v63  }
0x118: {  	s22 =	sadd.s32 $0x17840, s25;
	s23 =	sadd.s32 $0x32, s0  }
0x119: {  	[hbm4b:s23+s8] =	stream.linear.scatter [tilespmem:s22], [sflag:$0x2], $0x190, $0x38;
	[tilespmem:$0x1E680] =	vst v63  }
0x11a: {  	s28 =	sadd.s32 $0x17A00, s25;
	s29 =	sadd.s32 $0x64, s0  }
0x11b: {  	[hbm4b:s29+s8] =	stream.linear.scatter [tilespmem:s28], [sflag:$0x2], $0x190, $0x38;
	[tilespmem:$0x1E680] =	vst v63  }
0x11c: {  	s30 =	sadd.s32 $0x17BC0, s25;
	s31 =	sadd.s32 $0x96, s0  }
0x11d: {  	[hbm4b:s31+s8] =	stream.linear.scatter [tilespmem:s30], [sflag:$0x2], $0x190, $0x38;
	[tilespmem:$0x1E680] =	vst v63  }
0x11e: {  	s2 =	sadd.s32 $0x17D80, s25;
	s3 =	sadd.s32 $0xC8, s0  }
0x11f: {  	[hbm4b:s3+s8] =	stream.linear.scatter [tilespmem:s2], [sflag:$0x2], $0x190, $0x38;
	[tilespmem:$0x1E680] =	vst v63  }
0x120: {  	s4 =	sadd.s32 $0x17F40, s25;
	s5 =	sadd.s32 $0xFA, s0  }
0x121: {  	[hbm4b:s5+s8] =	stream.linear.scatter [tilespmem:s4], [sflag:$0x2], $0x190, $0x38;
	[tilespmem:$0x1E680] =	vst v63  }
0x122: {  	s6 =	sadd.s32 $0x18100, s25;
	s7 =	sadd.s32 $0x12C, s0  }
0x123: {  	[hbm4b:s7+s8] =	stream.linear.scatter [tilespmem:s6], [sflag:$0x2], $0x190, $0x38;
	[tilespmem:$0x1E680] =	vst v63  }
0x124: {  	s9 =	sadd.s32 $0x182C0, s25;
	s0 =	sadd.s32 $0x15E, s0  }
0x125: {  	[hbm4b:s0+s8] =	stream.linear.scatter [tilespmem:s9], [sflag:$0x2], $0x190, $0x38;
	[tilespmem:$0x1E680] =	vst v63  }
0x126: {  	s11 =	sadd.s32 s12, s26;
	s16 =	sadd.s32 $0x19280, s25  }
0x127: {  	[hbm4b:s11+s8] =	stream.linear.scatter [tilespmem:s16], [sflag:$0x2], $0x190, $0x38;
	[tilespmem:$0x1E680] =	vst v63  }
0x128: {  	s18 =	sadd.s32 $0x19440, s25;
	s19 =	sadd.s32 $0x32, s11  }
0x129: {  	[hbm4b:s19+s8] =	stream.linear.scatter [tilespmem:s18], [sflag:$0x2], $0x190, $0x38;
	[tilespmem:$0x1E680] =	vst v63  }
0x12a: {  	s22 =	sadd.s32 $0x19600, s25;
	s23 =	sadd.s32 $0x64, s11  }
0x12b: {  	[hbm4b:s23+s8] =	stream.linear.scatter [tilespmem:s22], [sflag:$0x2], $0x190, $0x38;
	[tilespmem:$0x1E680] =	vst v63  }
0x12c: {  	s28 =	sadd.s32 $0x197C0, s25;
	s29 =	sadd.s32 $0x96, s11  }
0x12d: {  	[hbm4b:s29+s8] =	stream.linear.scatter [tilespmem:s28], [sflag:$0x2], $0x190, $0x38;
	[tilespmem:$0x1E680] =	vst v63  }
0x12e: {  	s30 =	sadd.s32 $0x19980, s25;
	s31 =	sadd.s32 $0xC8, s11  }
0x12f: {  	[hbm4b:s31+s8] =	stream.linear.scatter [tilespmem:s30], [sflag:$0x2], $0x190, $0x38;
	[tilespmem:$0x1E680] =	vst v63  }
0x130: {  	s2 =	sadd.s32 $0x19B40, s25;
	s3 =	sadd.s32 $0xFA, s11  }
0x131: {  	[hbm4b:s3+s8] =	stream.linear.scatter [tilespmem:s2], [sflag:$0x2], $0x190, $0x38;
	[tilespmem:$0x1E680] =	vst v63  }
0x132: {  	s4 =	sadd.s32 $0x19D00, s25;
	s5 =	sadd.s32 $0x12C, s11  }
0x133: {  	[hbm4b:s5+s8] =	stream.linear.scatter [tilespmem:s4], [sflag:$0x2], $0x190, $0x38;
	[tilespmem:$0x1E680] =	vst v63  }
0x134: {  	s6 =	sadd.s32 $0x19EC0, s25;
	s0 =	sadd.s32 $0x15E, s11  }
0x135: {  	[hbm4b:s0+s8] =	stream.linear.scatter [tilespmem:s6], [sflag:$0x2], $0x190, $0x38;
	[tilespmem:$0x1E680] =	vst v63  }
0x136: {  	s7 =	sadd.s32 s13, s26;
	s9 =	sadd.s32 $0x1AE80, s25  }
0x137: {  	[hbm4b:s7+s8] =	stream.linear.scatter [tilespmem:s9], [sflag:$0x2], $0x190, $0x38;
	[tilespmem:$0x1E680] =	vst v63  }
0x138: {  	s11 =	sadd.s32 $0x1B040, s25;
	s16 =	sadd.s32 $0x32, s7  }
0x139: {  	[hbm4b:s16+s8] =	stream.linear.scatter [tilespmem:s11], [sflag:$0x2], $0x190, $0x38;
	[tilespmem:$0x1E680] =	vst v63  }
0x13a: {  	s18 =	sadd.s32 $0x1B200, s25;
	s19 =	sadd.s32 $0x64, s7  }
0x13b: {  	[hbm4b:s19+s8] =	stream.linear.scatter [tilespmem:s18], [sflag:$0x2], $0x190, $0x38;
	[tilespmem:$0x1E680] =	vst v63  }
0x13c: {  	s22 =	sadd.s32 $0x1B3C0, s25;
	s23 =	sadd.s32 $0x96, s7  }
0x13d: {  	[hbm4b:s23+s8] =	stream.linear.scatter [tilespmem:s22], [sflag:$0x2], $0x190, $0x38;
	[tilespmem:$0x1E680] =	vst v63  }
0x13e: {  	s28 =	sadd.s32 $0x1B580, s25;
	s29 =	sadd.s32 $0xC8, s7  }
0x13f: {  	[hbm4b:s29+s8] =	stream.linear.scatter [tilespmem:s28], [sflag:$0x2], $0x190, $0x38;
	[tilespmem:$0x1E680] =	vst v63  }
0x140: {  	s30 =	sadd.s32 $0x1B740, s25;
	s31 =	sadd.s32 $0xFA, s7  }
0x141: {  	[hbm4b:s31+s8] =	stream.linear.scatter [tilespmem:s30], [sflag:$0x2], $0x190, $0x38;
	[tilespmem:$0x1E680] =	vst v63  }
0x142: {  	s2 =	sadd.s32 $0x1B900, s25;
	s3 =	sadd.s32 $0x12C, s7  }
0x143: {  	[hbm4b:s3+s8] =	stream.linear.scatter [tilespmem:s2], [sflag:$0x2], $0x190, $0x38;
	[tilespmem:$0x1E680] =	vst v63  }
0x144: {  	s4 =	sadd.s32 $0x1BAC0, s25;
	s0 =	sadd.s32 $0x15E, s7  }
0x145: {  	[hbm4b:s0+s8] =	stream.linear.scatter [tilespmem:s4], [sflag:$0x2], $0x190, $0x38;
	[tilespmem:$0x1E680] =	vst v63  }
0x146: {  	s5 =	sadd.s32 s14, s26;
	s6 =	sadd.s32 $0x1CA80, s25  }
0x147: {  	[hbm4b:s5+s8] =	stream.linear.scatter [tilespmem:s6], [sflag:$0x2], $0x190, $0x38;
	[tilespmem:$0x1E680] =	vst v63  }
0x148: {  	s7 =	sadd.s32 $0x1CC40, s25;
	s9 =	sadd.s32 $0x32, s5  }
0x149: {  	[hbm4b:s9+s8] =	stream.linear.scatter [tilespmem:s7], [sflag:$0x2], $0x190, $0x38;
	[tilespmem:$0x1E680] =	vst v63  }
0x14a: {  	s11 =	sadd.s32 $0x1CE00, s25;
	s16 =	sadd.s32 $0x64, s5  }
0x14b: {  	[hbm4b:s16+s8] =	stream.linear.scatter [tilespmem:s11], [sflag:$0x2], $0x190, $0x38;
	[tilespmem:$0x1E680] =	vst v63  }
0x14c: {  	s18 =	sadd.s32 $0x1CFC0, s25;
	s19 =	sadd.s32 $0x96, s5  }
0x14d: {  	[hbm4b:s19+s8] =	stream.linear.scatter [tilespmem:s18], [sflag:$0x2], $0x190, $0x38;
	[tilespmem:$0x1E680] =	vst v63  }
0x14e: {  	s24 =	sadd.s32 $0x1, s24;
	s22 =	sadd.s32 $0x1D180, s25;
	s23 =	sadd.s32 $0xC8, s5  }
0x14f: {  	[hbm4b:s23+s8] =	stream.linear.scatter [tilespmem:s22], [sflag:$0x2], $0x190, $0x38;
	[tilespmem:$0x1E680] =	vst v63  }
0x150: {  	p1 =	sne.s32 s24, $0x10;
	s26 =	sadd.s32 $0x1D340, s25;
	s28 =	sadd.s32 $0xFA, s5  }
0x151: {  	[hbm4b:s28+s8] =	stream.linear.scatter [tilespmem:s26], [sflag:$0x2], $0x190, $0x38;
	[tilespmem:$0x1E680] =	vst v63  }
.Ltmp2:
0x152: {  	_ = 	snop;
	(pc) =	sbr.rel @p1 .LBB2_2-.Ltmp2, $4  }
0x153: {  	s29 =	sadd.s32 $0x1D500, s25;
	s30 =	sadd.s32 $0x12C, s5  }
0x154: {  	[hbm4b:s30+s8] =	stream.linear.scatter [tilespmem:s29], [sflag:$0x2], $0x190, $0x38;
	[tilespmem:$0x1E680] =	vst v63  }
0x155: {  	p0 =	por !p0, !p0;
	s31 =	sadd.s32 $0x1D6C0, s25;
	s0 =	sadd.s32 $0x15E, s5  }
0x156: {  	[hbm4b:s0+s8] =	stream.linear.scatter [tilespmem:s31], [sflag:$0x2], $0x190, $0x38;
	[tilespmem:$0x1E680] =	vst v63  }
0x157: {  	s1 =	simm.s32 $0x2  }
0x158: {  	_ =	swait.ge [sflag:s1], $0x1900  }
0x159: {  	[sflag:s1] =	ssyncset.done $0x0  }
0x15a: {  	[sflag:s1] =	ssyncadd.s32 $0xFFFFE700  }
0x15b: {  	_ =	swait.ge [sflag:s1], $0x1900  }
0x15c: {  	[sflag:s1] =	ssyncset.done $0x0  }
0x15d: {  	[sflag:s1] =	ssyncadd.s32 $0xFFFFE700  }
0x15e: {  	_ =	swait.ge [sflag:s1], $0x1900  }
0x15f: {  	[sflag:s1] =	ssyncset.done $0x0  }
0x160: {  	[sflag:s1] =	ssyncadd.s32 $0xFFFFE700  }
0x161: {  	_ =	swait.ge [sflag:s1], $0x1900  }
0x162: {  	[sflag:s1] =	ssyncset.done $0x0  }
0x163: {  	[sflag:s1] =	ssyncadd.s32 $0xFFFFE700  }
0x164: {  	_ =	swait.ge [sflag:s1], $0x1900  }
0x165: {  	[sflag:s1] =	ssyncset.done $0x0  }
0x166: {  	[sflag:s1] =	ssyncadd.s32 $0xFFFFE700  }
0x167: {  	_ =	swait.ge [sflag:s1], $0xC80  }
0x168: {  	[sflag:s1] =	ssyncset.done $0x0  }
0x169: {  	[sflag:s1] =	ssyncadd.s32 $0xFFFFF380  }
0x16a: {  	_ =	swait.ge [sflag:s1], $0xC80  }
0x16b: {  	[sflag:s1] =	ssyncset.done $0x0  }
0x16c: {  	[sflag:s1] =	ssyncadd.s32 $0xFFFFF380  }
0x16d: {  	_ =	swait.ge [sflag:s1], $0xC80  }
0x16e: {  	[sflag:s1] =	ssyncset.done $0x0  }
0x16f: {  	[sflag:s1] =	ssyncadd.s32 $0xFFFFF380  }
0x170: {  	_ =	swait.ge [sflag:s1], $0xC80  }
0x171: {  	[sflag:s1] =	ssyncset.done $0x0  }
0x172: {  	[sflag:s1] =	ssyncadd.s32 $0xFFFFF380  }
0x173: {  	_ =	swait.ge [sflag:s1], $0xC80  }
0x174: {  	[sflag:s1] =	ssyncset.done $0x0  }
0x175: {  	[sflag:s1] =	ssyncadd.s32 $0xFFFFF380  }
0x176: {  	_ =	swait.ge [sflag:s1], $0xC80  }
0x177: {  	s2 =	rddreg [dreg:$0x1b]  }
0x178: {  	s0 =	rddreg [dreg:$0x1a];
	s2 =	sadd.s32 $0x1, s2  }
0x179: {  	p0 =	sne.s32 s2, s0  }
.Ltmp3:
0x17a: {  	_ = 	snop;
	(pc) =	sbr.rel @p0 .LBB2_1-.Ltmp3, $3  }
0x17b: {  	_ =	sdelay $0x1  }
0x17c: {  	[sflag:s1] =	ssyncset.done $0x0  }
0x17d: {  	[sflag:s1] =	ssyncadd.s32 $0xFFFFF380  }
0x17e: {  	_ =	sfence.sel $0x180000  }
0x17f: {  	[bflag:$0x0] =	sbarrier.arrive $0xFFFF  }
0x180: {  	_ =	strace $0x90000047  }
0x181: {  	s0 =	stileid.u32;
	[bflag:$0x2] =	sbarrier.arrive $0xFFFF  }
0x182: {  	p0 =	sne.s32 s0, $0x0;
	s0 =	rddreg [dreg:$0xc]  }
0x183: {  	s0 =	sadd.s32 @!p0 $0x100000, s0  }
0x184: {  	[sflag:s0] =	ssyncadd.tile.s32 @!p0 $0x1;
	_ =	shalt  }
.Lfunc_end2:
_tile_overlayer_lowered:
.L_overlay_start_2:
0x185: {  	(tag) =	ssettag $0x2  }
0x186: {  	s0 =	rddreg [dreg:$0x0];
	s2 =	stileid.u32  }
0x187: {  	s1 =	rddreg [dreg:$0x1];
	p0 =	sne.s32 s2, $0x0  }
0x188: {  	s3 =	rddreg [dreg:$0x2];
	[bflag:$0x3] =	sbarrier.arrive $0xFFFF;
	s2 =	simm.s32 @!p0 $0x1C03  }
0x189: {  	[timem:s3], [sflag:s2] =	dma.local @!p0 [hbm:s0], s1  }
0x18a: {  	s0 =	simm.s32 @!p0 $0x3  }
0x18b: {  	_ =	swait.ge @!p0 [sflag:s0], s1  }
0x18c: {  	s1 =	ssub.s32 @!p0 $0x0, s1;
	[sflag:s0] =	ssyncset.done @!p0 $0x0  }
0x18d: {  	[sflag:s0] =	ssyncadd.s32 @!p0 s1  }
0x18e: {  	[bflag:$0x3] =	sbarrier.arrive $0xFFFF  }
0x18f: {  	_ =	shalt  }

</sc_bundles>
